<compile_context>
chip_gen: v7x
topology: tpu7x:2x2x1
jax: 0.10.2.dev20260603
libtpu: 0.0.44.dev20260713+nightly
codegen_flags: <defaults>
</compile_context>

<pallas_src>
import functools

import jax
import jax.numpy as jnp
from jax import lax
from jax.experimental import pallas as pl
from jax.experimental.pallas import tpu as pltpu
from jax.experimental.pallas import tpu_sc as plsc

OP = 3


def _sc_gather(table, idx):
    info = plsc.get_sparse_core_info()
    nw = info.num_cores * info.num_subcores
    n, d = idx.shape[0], table.shape[1]
    n_per_w = n // nw
    ch = 64
    n_ch = n_per_w // ch
    nbuf = 3
    mesh = plsc.VectorSubcoreMesh(core_axis_name="c", subcore_axis_name="s")

    @functools.partial(
        pl.kernel,
        mesh=mesh,
        out_type=jax.ShapeDtypeStruct((n, d), jnp.float32),
        scratch_types=[pltpu.VMEM((n_per_w,), jnp.int32)]
        + [pltpu.VMEM((ch, d), jnp.float32)] * nbuf
        + [pltpu.SemaphoreType.DMA] * (2 * nbuf),
    )
    def k(table_hbm, idx_hbm, out_hbm, idx_v, *bufsem):
        bufs = bufsem[:nbuf]
        gsems = bufsem[nbuf:2 * nbuf]
        wsems = bufsem[2 * nbuf:]
        wid = lax.axis_index("s") * info.num_cores + lax.axis_index("c")
        base = wid * n_per_w
        pltpu.sync_copy(idx_hbm.at[pl.ds(base, n_per_w)], idx_v)

        def start_g(c):
            return pltpu.async_copy(
                table_hbm.at[idx_v.at[pl.ds(c * ch, ch)]],
                bufs[c % nbuf], gsems[c % nbuf])

        gh = {c: start_g(c) for c in range(min(nbuf, n_ch))}
        for c in range(n_ch):
            gh[c].wait()
            wbh = pltpu.async_copy(
                bufs[c % nbuf], out_hbm.at[pl.ds(base + c * ch, ch)],
                wsems[c % nbuf])
            wbh.wait()
            if c + nbuf < n_ch:
                gh[c + nbuf] = start_g(c + nbuf)

    return k(table, idx)


def _fold_body(syn_W2, com_W2, out_Wp, syn_b2, com_b2, out_bp,
               fold_s, fold_c, cbias):
    d = syn_W2.shape[1]
    wo_s = out_Wp[:d, :]
    wo_c = out_Wp[d:, :]
    fold_s[...] = jnp.dot(syn_W2[...], wo_s, preferred_element_type=jnp.float32)
    fold_c[...] = jnp.dot(com_W2[...], wo_c, preferred_element_type=jnp.float32)
    cbias[...] = (jnp.dot(syn_b2[...], wo_s, preferred_element_type=jnp.float32)
                  + jnp.dot(com_b2[...], wo_c, preferred_element_type=jnp.float32)
                  + out_bp[...])


SB = 16


def _main_body(x_ref, a1_ref, a2_ref, w1s_ref, w1c_ref, b1s_ref, b1c_ref,
               folds_ref, foldc_ref, cbias_ref, out_ref):
    bf = jnp.bfloat16
    l, d = x_ref.shape[1], x_ref.shape[2]
    x2 = x_ref[...].reshape(SB * l, d).astype(bf)
    ps2 = jnp.dot(x2, w1s_ref[...],
                  preferred_element_type=jnp.float32).astype(bf)
    pc2 = jnp.dot(x2, w1c_ref[...],
                  preferred_element_type=jnp.float32).astype(bf)
    for s in range(SB):
        a1 = a1_ref[s].astype(bf)
        a2 = a2_ref[s].astype(bf)
        ps = ps2[s * l:(s + 1) * l]
        pc = pc2[s * l:(s + 1) * l]
        hs = jnp.maximum(
            jnp.dot(a1, ps, preferred_element_type=jnp.float32).astype(bf)
            + b1s_ref[...], jnp.array(0, bf))
        hc = jnp.maximum(
            jnp.dot(a2, pc, preferred_element_type=jnp.float32).astype(bf)
            + b1c_ref[...], jnp.array(0, bf))
        qs = jnp.dot(hs, folds_ref[...], preferred_element_type=jnp.float32)
        qc = jnp.dot(hc, foldc_ref[...], preferred_element_type=jnp.float32)
        out_ref[s] = (
            jnp.dot(a1, qs.astype(bf), preferred_element_type=jnp.float32)
            + jnp.dot(a2, qc.astype(bf), preferred_element_type=jnp.float32)
            + cbias_ref[...])


def kernel(inputs, adj1, adj2, adj3, table, syn_W1, syn_b1, syn_W2, syn_b2,
           com_W1, com_b1, com_W2, com_b2, out_W, out_b):
    b, l = inputs.shape
    d, h = syn_W1.shape
    o = out_W.shape[1]

    idx = inputs.reshape(b * l).astype(jnp.int32)
    nchunk = 1
    bc = b // nchunk
    xs = [_sc_gather(table, idx[k * bc * l:(k + 1) * bc * l]).reshape(bc, l, d)
          for k in range(nchunk)]

    out_Wp = jnp.zeros((2 * d, OP), jnp.float32).at[:, :o].set(out_W)
    out_bp = jnp.zeros((1, OP), jnp.float32).at[:, :o].set(out_b)

    fold_s, fold_c, cbias = pl.pallas_call(
        _fold_body,
        out_shape=[
            jax.ShapeDtypeStruct((h, OP), jnp.float32),
            jax.ShapeDtypeStruct((h, OP), jnp.float32),
            jax.ShapeDtypeStruct((1, OP), jnp.float32),
        ],
    )(syn_W2, com_W2, out_Wp, syn_b2.reshape(1, d), com_b2.reshape(1, d),
      out_bp)

    full = lambda shape: pl.BlockSpec(shape, lambda i: (0,) * len(shape))
    main = pl.pallas_call(
        _main_body,
        grid=(bc // SB,),
        in_specs=[
            pl.BlockSpec((SB, l, d), lambda i: (i, 0, 0)),
            pl.BlockSpec((SB, l, l), lambda i: (i, 0, 0)),
            pl.BlockSpec((SB, l, l), lambda i: (i, 0, 0)),
            full((d, h)),
            full((d, h)),
            full((1, h)),
            full((1, h)),
            full((h, OP)),
            full((h, OP)),
            full((1, OP)),
        ],
        out_specs=pl.BlockSpec((SB, l, OP), lambda i: (i, 0, 0)),
        out_shape=jax.ShapeDtypeStruct((bc, l, OP), jnp.float32),
        compiler_params=pltpu.CompilerParams(
            dimension_semantics=("arbitrary",)),
    )
    w1s = syn_W1.astype(jnp.bfloat16)
    w1c = com_W1.astype(jnp.bfloat16)
    fs = fold_s.astype(jnp.bfloat16)
    fc = fold_c.astype(jnp.bfloat16)
    outs = [
        main(xs[k], adj1[k * bc:(k + 1) * bc], adj2[k * bc:(k + 1) * bc],
             w1s, w1c, syn_b1.reshape(1, h).astype(jnp.bfloat16),
             com_b1.reshape(1, h).astype(jnp.bfloat16),
             fs, fc, cbias)
        for k in range(nchunk)
    ]
    out = outs[0] if nchunk == 1 else jnp.concatenate(outs, axis=0)
    return out if OP == o else out[:, :, :o]

# --- scband reference (transcript-rebuilt; emitter-appended) ---
"""Pipeline reference for scband-sskmodel-65257733095558 (READ-ONLY COPY).

The authoritative reference and input builder live on the scoring server;
editing this copy changes nothing except your own understanding.
"""

import jax, jax.numpy as jnp
import numpy as np

B, L, V, D, H, O = 128, 128, 30000, 512, 1024, 3


def setup_inputs(seed: int = 0) -> dict:
    key = jax.random.key(seed)
    ks = jax.random.split(key, 16)
    inp = {}
    inp["inputs"] = jax.random.randint(ks[0], (B, L), 0, V)
    inp["adj1"] = jax.random.uniform(ks[1], (B, L, L), dtype=jnp.float32)
    inp["adj2"] = jax.random.uniform(ks[2], (B, L, L), dtype=jnp.float32)
    inp["adj3"] = jax.random.uniform(ks[3], (B, L, L), dtype=jnp.float32)
    # learned parameters
    inp["table"] = jax.random.normal(ks[4], (V, D), dtype=jnp.float32) * 0.02
    inp["syn_W1"] = jax.random.normal(ks[5], (D, H), dtype=jnp.float32) / np.sqrt(D)
    inp["syn_b1"] = jnp.zeros((H,), dtype=jnp.float32)
    inp["syn_W2"] = jax.random.normal(ks[6], (H, D), dtype=jnp.float32) / np.sqrt(H)
    inp["syn_b2"] = jnp.zeros((D,), dtype=jnp.float32)
    inp["com_W1"] = jax.random.normal(ks[7], (D, H), dtype=jnp.float32) / np.sqrt(D)
    inp["com_b1"] = jnp.zeros((H,), dtype=jnp.float32)
    inp["com_W2"] = jax.random.normal(ks[8], (H, D), dtype=jnp.float32) / np.sqrt(H)
    inp["com_b2"] = jnp.zeros((D,), dtype=jnp.float32)
    inp["out_W"] = jax.random.normal(ks[9], (2 * D, O), dtype=jnp.float32) / np.sqrt(2 * D)
    inp["out_b"] = jnp.zeros((O,), dtype=jnp.float32)
    return inp


def _gcn(x, adj, W1, b1, W2, b2):
    # two-layer GCN: A @ (X W1) -> relu -> A @ (H W2); dropout omitted (eval mode)
    h = jax.nn.relu(jnp.einsum('bij,bjd->bid', adj, x @ W1) + b1)
    return jnp.einsum('bij,bjd->bid', adj, h @ W2) + b2


def reference(inputs, adj1, adj2, adj3, table, syn_W1, syn_b1, syn_W2, syn_b2,
              com_W1, com_b1, com_W2, com_b2, out_W, out_b):
    # EmbeddingLayer: token embedding lookup -> [B, L, D] contextual features
    x = jnp.take(table, inputs, axis=0)
    syn = _gcn(x, adj1, syn_W1, syn_b1, syn_W2, syn_b2)
    com = _gcn(x, adj2, com_W1, com_b1, com_W2, com_b2)
    g = jnp.concatenate([syn, com], axis=-1)
    out = g @ out_W + out_b
    return out

if __name__ == "__main__":
    import jax
    _d = setup_inputs()
    print(jax.jit(kernel)(*tuple(_d.values())))

</pallas_src>

<mosaic_0001>
#map = affine_map<(d0, d1) -> (0, 0)>
#map1 = affine_map<(d0, d1) -> (0)>
module attributes {stable_mosaic.version = 14 : i64} {
  func.func @k(%arg0: i32, %arg1: i32, %arg2: memref<30000x512xf32, #tpu.memory_space<hbm>>, %arg3: memref<16384xi32, #tpu.memory_space<hbm>>, %arg4: memref<16384x512xf32, #tpu.memory_space<hbm>>, %arg5: memref<512xi32, #tpu.memory_space<vmem>>, %arg6: memref<64x512xf32, #tpu.memory_space<vmem>>, %arg7: memref<64x512xf32, #tpu.memory_space<vmem>>, %arg8: memref<64x512xf32, #tpu.memory_space<vmem>>, %arg9: memref<!tpu.dma_semaphore, #tpu.memory_space<semaphore_mem>>, %arg10: memref<!tpu.dma_semaphore, #tpu.memory_space<semaphore_mem>>, %arg11: memref<!tpu.dma_semaphore, #tpu.memory_space<semaphore_mem>>, %arg12: memref<!tpu.dma_semaphore, #tpu.memory_space<semaphore_mem>>, %arg13: memref<!tpu.dma_semaphore, #tpu.memory_space<semaphore_mem>>, %arg14: memref<!tpu.dma_semaphore, #tpu.memory_space<semaphore_mem>>) attributes {dimension_semantics = [#tpu.dimension_semantics<core_parallel>, #tpu.dimension_semantics<subcore_parallel>], iteration_bounds = array<i64: 2, 16>, scalar_prefetch = 0 : i64, scratch_operands = 10 : i64, tpu.core_type = #tpu.core_type<sc_vector_subcore>, window_params = [{transform_indices = #map}, {transform_indices = #map1}, {transform_indices = #map}]} {
    %mul3A = arith.constant 2 : i32
    %mul3A_0 = arith.muli %arg1, %mul3A : i32
    %add3A = arith.addi %mul3A_0, %arg0 : i32
    %mul3A_1 = arith.constant 512 : i32
    %mul3A_2 = arith.muli %add3A, %mul3A_1 : i32
    "tpu.region"() ({
      %run_scoped3A = tpu.sem_alloc : memref<!tpu.dma_semaphore, #tpu.memory_space<semaphore_mem>>
      %dma_start3A_161 = tpu.memref_slice %arg3[%mul3A_2] : memref<16384xi32, #tpu.memory_space<hbm>> -> memref<512xi32, #tpu.memory_space<hbm>>
      %dma_start3A_162 = tpu.memref_slice %arg3[%mul3A_2] : memref<16384xi32, #tpu.memory_space<hbm>> -> memref<512xi32, #tpu.memory_space<hbm>>
      tpu.enqueue_dma source(%dma_start3A_162 : memref<512xi32, #tpu.memory_space<hbm>>) target(%arg5 : memref<512xi32, #tpu.memory_space<vmem>>) target_semaphore(%run_scoped3A : memref<!tpu.dma_semaphore, #tpu.memory_space<semaphore_mem>>)
      %dma_wait3A_163 = tpu.memref_slice %arg3[%mul3A_2] : memref<16384xi32, #tpu.memory_space<hbm>> -> memref<512xi32, #tpu.memory_space<hbm>>
      %dma_wait3A_164 = tpu.memref_slice %arg3[%mul3A_2] : memref<16384xi32, #tpu.memory_space<hbm>> -> memref<512xi32, #tpu.memory_space<hbm>>
      tpu.wait_dma2 semaphore(%run_scoped3A : memref<!tpu.dma_semaphore, #tpu.memory_space<semaphore_mem>>) src(%dma_wait3A_164 : memref<512xi32, #tpu.memory_space<hbm>>) dst(%arg5 : memref<512xi32, #tpu.memory_space<vmem>>)
      tpu.yield
    }) : () -> ()
    %dma_start3A = arith.constant 0 : i32
    %dma_start3A_3 = tpu.memref_slice %arg5[%dma_start3A] : memref<512xi32, #tpu.memory_space<vmem>> -> memref<64xi32, #tpu.memory_space<vmem>>
    %dma_start3A_4 = arith.constant 0 : i32
    %dma_start3A_5 = arith.constant 0 : i32
    %dma_start3A_6 = tpu.memref_slice %arg2[%dma_start3A_4, %dma_start3A_5] : memref<30000x512xf32, #tpu.memory_space<hbm>> -> memref<30000x512xf32, #tpu.memory_space<hbm>>
    tpu.enqueue_indirect_dma source(%dma_start3A_6 : memref<30000x512xf32, #tpu.memory_space<hbm>>) target(%arg6 : memref<64x512xf32, #tpu.memory_space<vmem>>) offsets(%dma_start3A_3 : memref<64xi32, #tpu.memory_space<vmem>>) semaphore(%arg9 : memref<!tpu.dma_semaphore, #tpu.memory_space<semaphore_mem>>)
    %dma_start3A_7 = arith.constant 64 : i32
    %dma_start3A_8 = tpu.memref_slice %arg5[%dma_start3A_7] : memref<512xi32, #tpu.memory_space<vmem>> -> memref<64xi32, #tpu.memory_space<vmem>>
    %dma_start3A_9 = arith.constant 0 : i32
    %dma_start3A_10 = arith.constant 0 : i32
    %dma_start3A_11 = tpu.memref_slice %arg2[%dma_start3A_9, %dma_start3A_10] : memref<30000x512xf32, #tpu.memory_space<hbm>> -> memref<30000x512xf32, #tpu.memory_space<hbm>>
    tpu.enqueue_indirect_dma source(%dma_start3A_11 : memref<30000x512xf32, #tpu.memory_space<hbm>>) target(%arg7 : memref<64x512xf32, #tpu.memory_space<vmem>>) offsets(%dma_start3A_8 : memref<64xi32, #tpu.memory_space<vmem>>) semaphore(%arg10 : memref<!tpu.dma_semaphore, #tpu.memory_space<semaphore_mem>>)
    %dma_start3A_12 = arith.constant 128 : i32
    %dma_start3A_13 = tpu.memref_slice %arg5[%dma_start3A_12] : memref<512xi32, #tpu.memory_space<vmem>> -> memref<64xi32, #tpu.memory_space<vmem>>
    %dma_start3A_14 = arith.constant 0 : i32
    %dma_start3A_15 = arith.constant 0 : i32
    %dma_start3A_16 = tpu.memref_slice %arg2[%dma_start3A_14, %dma_start3A_15] : memref<30000x512xf32, #tpu.memory_space<hbm>> -> memref<30000x512xf32, #tpu.memory_space<hbm>>
    tpu.enqueue_indirect_dma source(%dma_start3A_16 : memref<30000x512xf32, #tpu.memory_space<hbm>>) target(%arg8 : memref<64x512xf32, #tpu.memory_space<vmem>>) offsets(%dma_start3A_13 : memref<64xi32, #tpu.memory_space<vmem>>) semaphore(%arg11 : memref<!tpu.dma_semaphore, #tpu.memory_space<semaphore_mem>>)
    %dma_wait3A = arith.constant 0 : i32
    %dma_wait3A_17 = tpu.memref_slice %arg5[%dma_wait3A] : memref<512xi32, #tpu.memory_space<vmem>> -> memref<64xi32, #tpu.memory_space<vmem>>
    %dma_wait3A_18 = arith.constant 0 : i32
    %dma_wait3A_19 = arith.constant 0 : i32
    %dma_wait3A_20 = tpu.memref_slice %arg2[%dma_wait3A_18, %dma_wait3A_19] : memref<30000x512xf32, #tpu.memory_space<hbm>> -> memref<30000x512xf32, #tpu.memory_space<hbm>>
    tpu.wait_indirect_dma semaphore(%arg9 : memref<!tpu.dma_semaphore, #tpu.memory_space<semaphore_mem>>) src(%dma_wait3A_20 : memref<30000x512xf32, #tpu.memory_space<hbm>>) dst(%arg6 : memref<64x512xf32, #tpu.memory_space<vmem>>)
    %add3A_21 = arith.constant 0 : i32
    %add3A_22 = arith.addi %mul3A_2, %add3A_21 : i32
    %dma_start3A_23 = arith.constant 0 : i32
    %dma_start3A_24 = tpu.memref_slice %arg4[%add3A_22, %dma_start3A_23] : memref<16384x512xf32, #tpu.memory_space<hbm>> -> memref<64x512xf32, #tpu.memory_space<hbm>>
    %dma_start3A_25 = arith.constant 0 : i32
    %dma_start3A_26 = tpu.memref_slice %arg4[%add3A_22, %dma_start3A_25] : memref<16384x512xf32, #tpu.memory_space<hbm>> -> memref<64x512xf32, #tpu.memory_space<hbm>>
    tpu.enqueue_dma source(%arg6 : memref<64x512xf32, #tpu.memory_space<vmem>>) target(%dma_start3A_26 : memref<64x512xf32, #tpu.memory_space<hbm>>) target_semaphore(%arg12 : memref<!tpu.dma_semaphore, #tpu.memory_space<semaphore_mem>>)
    %dma_wait3A_27 = arith.constant 0 : i32
    %dma_wait3A_28 = tpu.memref_slice %arg4[%add3A_22, %dma_wait3A_27] : memref<16384x512xf32, #tpu.memory_space<hbm>> -> memref<64x512xf32, #tpu.memory_space<hbm>>
    %dma_wait3A_29 = arith.constant 0 : i32
    %dma_wait3A_30 = tpu.memref_slice %arg4[%add3A_22, %dma_wait3A_29] : memref<16384x512xf32, #tpu.memory_space<hbm>> -> memref<64x512xf32, #tpu.memory_space<hbm>>
    tpu.wait_dma2 semaphore(%arg12 : memref<!tpu.dma_semaphore, #tpu.memory_space<semaphore_mem>>) src(%arg6 : memref<64x512xf32, #tpu.memory_space<vmem>>) dst(%dma_wait3A_30 : memref<64x512xf32, #tpu.memory_space<hbm>>)
    %dma_start3A_31 = arith.constant 192 : i32
    %dma_start3A_32 = tpu.memref_slice %arg5[%dma_start3A_31] : memref<512xi32, #tpu.memory_space<vmem>> -> memref<64xi32, #tpu.memory_space<vmem>>
    %dma_start3A_33 = arith.constant 0 : i32
    %dma_start3A_34 = arith.constant 0 : i32
    %dma_start3A_35 = tpu.memref_slice %arg2[%dma_start3A_33, %dma_start3A_34] : memref<30000x512xf32, #tpu.memory_space<hbm>> -> memref<30000x512xf32, #tpu.memory_space<hbm>>
    tpu.enqueue_indirect_dma source(%dma_start3A_35 : memref<30000x512xf32, #tpu.memory_space<hbm>>) target(%arg6 : memref<64x512xf32, #tpu.memory_space<vmem>>) offsets(%dma_start3A_32 : memref<64xi32, #tpu.memory_space<vmem>>) semaphore(%arg9 : memref<!tpu.dma_semaphore, #tpu.memory_space<semaphore_mem>>)
    %dma_wait3A_36 = arith.constant 64 : i32
    %dma_wait3A_37 = tpu.memref_slice %arg5[%dma_wait3A_36] : memref<512xi32, #tpu.memory_space<vmem>> -> memref<64xi32, #tpu.memory_space<vmem>>
    %dma_wait3A_38 = arith.constant 0 : i32
    %dma_wait3A_39 = arith.constant 0 : i32
    %dma_wait3A_40 = tpu.memref_slice %arg2[%dma_wait3A_38, %dma_wait3A_39] : memref<30000x512xf32, #tpu.memory_space<hbm>> -> memref<30000x512xf32, #tpu.memory_space<hbm>>
    tpu.wait_indirect_dma semaphore(%arg10 : memref<!tpu.dma_semaphore, #tpu.memory_space<semaphore_mem>>) src(%dma_wait3A_40 : memref<30000x512xf32, #tpu.memory_space<hbm>>) dst(%arg7 : memref<64x512xf32, #tpu.memory_space<vmem>>)
    %add3A_41 = arith.constant 64 : i32
    %add3A_42 = arith.addi %mul3A_2, %add3A_41 : i32
    %dma_start3A_43 = arith.constant 0 : i32
    %dma_start3A_44 = tpu.memref_slice %arg4[%add3A_42, %dma_start3A_43] : memref<16384x512xf32, #tpu.memory_space<hbm>> -> memref<64x512xf32, #tpu.memory_space<hbm>>
    %dma_start3A_45 = arith.constant 0 : i32
    %dma_start3A_46 = tpu.memref_slice %arg4[%add3A_42, %dma_start3A_45] : memref<16384x512xf32, #tpu.memory_space<hbm>> -> memref<64x512xf32, #tpu.memory_space<hbm>>
    tpu.enqueue_dma source(%arg7 : memref<64x512xf32, #tpu.memory_space<vmem>>) target(%dma_start3A_46 : memref<64x512xf32, #tpu.memory_space<hbm>>) target_semaphore(%arg13 : memref<!tpu.dma_semaphore, #tpu.memory_space<semaphore_mem>>)
    %dma_wait3A_47 = arith.constant 0 : i32
    %dma_wait3A_48 = tpu.memref_slice %arg4[%add3A_42, %dma_wait3A_47] : memref<16384x512xf32, #tpu.memory_space<hbm>> -> memref<64x512xf32, #tpu.memory_space<hbm>>
    %dma_wait3A_49 = arith.constant 0 : i32
    %dma_wait3A_50 = tpu.memref_slice %arg4[%add3A_42, %dma_wait3A_49] : memref<16384x512xf32, #tpu.memory_space<hbm>> -> memref<64x512xf32, #tpu.memory_space<hbm>>
    tpu.wait_dma2 semaphore(%arg13 : memref<!tpu.dma_semaphore, #tpu.memory_space<semaphore_mem>>) src(%arg7 : memref<64x512xf32, #tpu.memory_space<vmem>>) dst(%dma_wait3A_50 : memref<64x512xf32, #tpu.memory_space<hbm>>)
    %dma_start3A_51 = arith.constant 256 : i32
    %dma_start3A_52 = tpu.memref_slice %arg5[%dma_start3A_51] : memref<512xi32, #tpu.memory_space<vmem>> -> memref<64xi32, #tpu.memory_space<vmem>>
    %dma_start3A_53 = arith.constant 0 : i32
    %dma_start3A_54 = arith.constant 0 : i32
    %dma_start3A_55 = tpu.memref_slice %arg2[%dma_start3A_53, %dma_start3A_54] : memref<30000x512xf32, #tpu.memory_space<hbm>> -> memref<30000x512xf32, #tpu.memory_space<hbm>>
    tpu.enqueue_indirect_dma source(%dma_start3A_55 : memref<30000x512xf32, #tpu.memory_space<hbm>>) target(%arg7 : memref<64x512xf32, #tpu.memory_space<vmem>>) offsets(%dma_start3A_52 : memref<64xi32, #tpu.memory_space<vmem>>) semaphore(%arg10 : memref<!tpu.dma_semaphore, #tpu.memory_space<semaphore_mem>>)
    %dma_wait3A_56 = arith.constant 128 : i32
    %dma_wait3A_57 = tpu.memref_slice %arg5[%dma_wait3A_56] : memref<512xi32, #tpu.memory_space<vmem>> -> memref<64xi32, #tpu.memory_space<vmem>>
    %dma_wait3A_58 = arith.constant 0 : i32
    %dma_wait3A_59 = arith.constant 0 : i32
    %dma_wait3A_60 = tpu.memref_slice %arg2[%dma_wait3A_58, %dma_wait3A_59] : memref<30000x512xf32, #tpu.memory_space<hbm>> -> memref<30000x512xf32, #tpu.memory_space<hbm>>
    tpu.wait_indirect_dma semaphore(%arg11 : memref<!tpu.dma_semaphore, #tpu.memory_space<semaphore_mem>>) src(%dma_wait3A_60 : memref<30000x512xf32, #tpu.memory_space<hbm>>) dst(%arg8 : memref<64x512xf32, #tpu.memory_space<vmem>>)
    %add3A_61 = arith.constant 128 : i32
    %add3A_62 = arith.addi %mul3A_2, %add3A_61 : i32
    %dma_start3A_63 = arith.constant 0 : i32
    %dma_start3A_64 = tpu.memref_slice %arg4[%add3A_62, %dma_start3A_63] : memref<16384x512xf32, #tpu.memory_space<hbm>> -> memref<64x512xf32, #tpu.memory_space<hbm>>
    %dma_start3A_65 = arith.constant 0 : i32
    %dma_start3A_66 = tpu.memref_slice %arg4[%add3A_62, %dma_start3A_65] : memref<16384x512xf32, #tpu.memory_space<hbm>> -> memref<64x512xf32, #tpu.memory_space<hbm>>
    tpu.enqueue_dma source(%arg8 : memref<64x512xf32, #tpu.memory_space<vmem>>) target(%dma_start3A_66 : memref<64x512xf32, #tpu.memory_space<hbm>>) target_semaphore(%arg14 : memref<!tpu.dma_semaphore, #tpu.memory_space<semaphore_mem>>)
    %dma_wait3A_67 = arith.constant 0 : i32
    %dma_wait3A_68 = tpu.memref_slice %arg4[%add3A_62, %dma_wait3A_67] : memref<16384x512xf32, #tpu.memory_space<hbm>> -> memref<64x512xf32, #tpu.memory_space<hbm>>
    %dma_wait3A_69 = arith.constant 0 : i32
    %dma_wait3A_70 = tpu.memref_slice %arg4[%add3A_62, %dma_wait3A_69] : memref<16384x512xf32, #tpu.memory_space<hbm>> -> memref<64x512xf32, #tpu.memory_space<hbm>>
    tpu.wait_dma2 semaphore(%arg14 : memref<!tpu.dma_semaphore, #tpu.memory_space<semaphore_mem>>) src(%arg8 : memref<64x512xf32, #tpu.memory_space<vmem>>) dst(%dma_wait3A_70 : memref<64x512xf32, #tpu.memory_space<hbm>>)
    %dma_start3A_71 = arith.constant 320 : i32
    %dma_start3A_72 = tpu.memref_slice %arg5[%dma_start3A_71] : memref<512xi32, #tpu.memory_space<vmem>> -> memref<64xi32, #tpu.memory_space<vmem>>
    %dma_start3A_73 = arith.constant 0 : i32
    %dma_start3A_74 = arith.constant 0 : i32
    %dma_start3A_75 = tpu.memref_slice %arg2[%dma_start3A_73, %dma_start3A_74] : memref<30000x512xf32, #tpu.memory_space<hbm>> -> memref<30000x512xf32, #tpu.memory_space<hbm>>
    tpu.enqueue_indirect_dma source(%dma_start3A_75 : memref<30000x512xf32, #tpu.memory_space<hbm>>) target(%arg8 : memref<64x512xf32, #tpu.memory_space<vmem>>) offsets(%dma_start3A_72 : memref<64xi32, #tpu.memory_space<vmem>>) semaphore(%arg11 : memref<!tpu.dma_semaphore, #tpu.memory_space<semaphore_mem>>)
    %dma_wait3A_76 = arith.constant 192 : i32
    %dma_wait3A_77 = tpu.memref_slice %arg5[%dma_wait3A_76] : memref<512xi32, #tpu.memory_space<vmem>> -> memref<64xi32, #tpu.memory_space<vmem>>
    %dma_wait3A_78 = arith.constant 0 : i32
    %dma_wait3A_79 = arith.constant 0 : i32
    %dma_wait3A_80 = tpu.memref_slice %arg2[%dma_wait3A_78, %dma_wait3A_79] : memref<30000x512xf32, #tpu.memory_space<hbm>> -> memref<30000x512xf32, #tpu.memory_space<hbm>>
    tpu.wait_indirect_dma semaphore(%arg9 : memref<!tpu.dma_semaphore, #tpu.memory_space<semaphore_mem>>) src(%dma_wait3A_80 : memref<30000x512xf32, #tpu.memory_space<hbm>>) dst(%arg6 : memref<64x512xf32, #tpu.memory_space<vmem>>)
    %add3A_81 = arith.constant 192 : i32
    %add3A_82 = arith.addi %mul3A_2, %add3A_81 : i32
    %dma_start3A_83 = arith.constant 0 : i32
    %dma_start3A_84 = tpu.memref_slice %arg4[%add3A_82, %dma_start3A_83] : memref<16384x512xf32, #tpu.memory_space<hbm>> -> memref<64x512xf32, #tpu.memory_space<hbm>>
    %dma_start3A_85 = arith.constant 0 : i32
    %dma_start3A_86 = tpu.memref_slice %arg4[%add3A_82, %dma_start3A_85] : memref<16384x512xf32, #tpu.memory_space<hbm>> -> memref<64x512xf32, #tpu.memory_space<hbm>>
    tpu.enqueue_dma source(%arg6 : memref<64x512xf32, #tpu.memory_space<vmem>>) target(%dma_start3A_86 : memref<64x512xf32, #tpu.memory_space<hbm>>) target_semaphore(%arg12 : memref<!tpu.dma_semaphore, #tpu.memory_space<semaphore_mem>>)
    %dma_wait3A_87 = arith.constant 0 : i32
    %dma_wait3A_88 = tpu.memref_slice %arg4[%add3A_82, %dma_wait3A_87] : memref<16384x512xf32, #tpu.memory_space<hbm>> -> memref<64x512xf32, #tpu.memory_space<hbm>>
    %dma_wait3A_89 = arith.constant 0 : i32
    %dma_wait3A_90 = tpu.memref_slice %arg4[%add3A_82, %dma_wait3A_89] : memref<16384x512xf32, #tpu.memory_space<hbm>> -> memref<64x512xf32, #tpu.memory_space<hbm>>
    tpu.wait_dma2 semaphore(%arg12 : memref<!tpu.dma_semaphore, #tpu.memory_space<semaphore_mem>>) src(%arg6 : memref<64x512xf32, #tpu.memory_space<vmem>>) dst(%dma_wait3A_90 : memref<64x512xf32, #tpu.memory_space<hbm>>)
    %dma_start3A_91 = arith.constant 384 : i32
    %dma_start3A_92 = tpu.memref_slice %arg5[%dma_start3A_91] : memref<512xi32, #tpu.memory_space<vmem>> -> memref<64xi32, #tpu.memory_space<vmem>>
    %dma_start3A_93 = arith.constant 0 : i32
    %dma_start3A_94 = arith.constant 0 : i32
    %dma_start3A_95 = tpu.memref_slice %arg2[%dma_start3A_93, %dma_start3A_94] : memref<30000x512xf32, #tpu.memory_space<hbm>> -> memref<30000x512xf32, #tpu.memory_space<hbm>>
    tpu.enqueue_indirect_dma source(%dma_start3A_95 : memref<30000x512xf32, #tpu.memory_space<hbm>>) target(%arg6 : memref<64x512xf32, #tpu.memory_space<vmem>>) offsets(%dma_start3A_92 : memref<64xi32, #tpu.memory_space<vmem>>) semaphore(%arg9 : memref<!tpu.dma_semaphore, #tpu.memory_space<semaphore_mem>>)
    %dma_wait3A_96 = arith.constant 256 : i32
    %dma_wait3A_97 = tpu.memref_slice %arg5[%dma_wait3A_96] : memref<512xi32, #tpu.memory_space<vmem>> -> memref<64xi32, #tpu.memory_space<vmem>>
    %dma_wait3A_98 = arith.constant 0 : i32
    %dma_wait3A_99 = arith.constant 0 : i32
    %dma_wait3A_100 = tpu.memref_slice %arg2[%dma_wait3A_98, %dma_wait3A_99] : memref<30000x512xf32, #tpu.memory_space<hbm>> -> memref<30000x512xf32, #tpu.memory_space<hbm>>
    tpu.wait_indirect_dma semaphore(%arg10 : memref<!tpu.dma_semaphore, #tpu.memory_space<semaphore_mem>>) src(%dma_wait3A_100 : memref<30000x512xf32, #tpu.memory_space<hbm>>) dst(%arg7 : memref<64x512xf32, #tpu.memory_space<vmem>>)
    %add3A_101 = arith.constant 256 : i32
    %add3A_102 = arith.addi %mul3A_2, %add3A_101 : i32
    %dma_start3A_103 = arith.constant 0 : i32
    %dma_start3A_104 = tpu.memref_slice %arg4[%add3A_102, %dma_start3A_103] : memref<16384x512xf32, #tpu.memory_space<hbm>> -> memref<64x512xf32, #tpu.memory_space<hbm>>
    %dma_start3A_105 = arith.constant 0 : i32
    %dma_start3A_106 = tpu.memref_slice %arg4[%add3A_102, %dma_start3A_105] : memref<16384x512xf32, #tpu.memory_space<hbm>> -> memref<64x512xf32, #tpu.memory_space<hbm>>
    tpu.enqueue_dma source(%arg7 : memref<64x512xf32, #tpu.memory_space<vmem>>) target(%dma_start3A_106 : memref<64x512xf32, #tpu.memory_space<hbm>>) target_semaphore(%arg13 : memref<!tpu.dma_semaphore, #tpu.memory_space<semaphore_mem>>)
    %dma_wait3A_107 = arith.constant 0 : i32
    %dma_wait3A_108 = tpu.memref_slice %arg4[%add3A_102, %dma_wait3A_107] : memref<16384x512xf32, #tpu.memory_space<hbm>> -> memref<64x512xf32, #tpu.memory_space<hbm>>
    %dma_wait3A_109 = arith.constant 0 : i32
    %dma_wait3A_110 = tpu.memref_slice %arg4[%add3A_102, %dma_wait3A_109] : memref<16384x512xf32, #tpu.memory_space<hbm>> -> memref<64x512xf32, #tpu.memory_space<hbm>>
    tpu.wait_dma2 semaphore(%arg13 : memref<!tpu.dma_semaphore, #tpu.memory_space<semaphore_mem>>) src(%arg7 : memref<64x512xf32, #tpu.memory_space<vmem>>) dst(%dma_wait3A_110 : memref<64x512xf32, #tpu.memory_space<hbm>>)
    %dma_start3A_111 = arith.constant 448 : i32
    %dma_start3A_112 = tpu.memref_slice %arg5[%dma_start3A_111] : memref<512xi32, #tpu.memory_space<vmem>> -> memref<64xi32, #tpu.memory_space<vmem>>
    %dma_start3A_113 = arith.constant 0 : i32
    %dma_start3A_114 = arith.constant 0 : i32
    %dma_start3A_115 = tpu.memref_slice %arg2[%dma_start3A_113, %dma_start3A_114] : memref<30000x512xf32, #tpu.memory_space<hbm>> -> memref<30000x512xf32, #tpu.memory_space<hbm>>
    tpu.enqueue_indirect_dma source(%dma_start3A_115 : memref<30000x512xf32, #tpu.memory_space<hbm>>) target(%arg7 : memref<64x512xf32, #tpu.memory_space<vmem>>) offsets(%dma_start3A_112 : memref<64xi32, #tpu.memory_space<vmem>>) semaphore(%arg10 : memref<!tpu.dma_semaphore, #tpu.memory_space<semaphore_mem>>)
    %dma_wait3A_116 = arith.constant 320 : i32
    %dma_wait3A_117 = tpu.memref_slice %arg5[%dma_wait3A_116] : memref<512xi32, #tpu.memory_space<vmem>> -> memref<64xi32, #tpu.memory_space<vmem>>
    %dma_wait3A_118 = arith.constant 0 : i32
    %dma_wait3A_119 = arith.constant 0 : i32
    %dma_wait3A_120 = tpu.memref_slice %arg2[%dma_wait3A_118, %dma_wait3A_119] : memref<30000x512xf32, #tpu.memory_space<hbm>> -> memref<30000x512xf32, #tpu.memory_space<hbm>>
    tpu.wait_indirect_dma semaphore(%arg11 : memref<!tpu.dma_semaphore, #tpu.memory_space<semaphore_mem>>) src(%dma_wait3A_120 : memref<30000x512xf32, #tpu.memory_space<hbm>>) dst(%arg8 : memref<64x512xf32, #tpu.memory_space<vmem>>)
    %add3A_121 = arith.constant 320 : i32
    %add3A_122 = arith.addi %mul3A_2, %add3A_121 : i32
    %dma_start3A_123 = arith.constant 0 : i32
    %dma_start3A_124 = tpu.memref_slice %arg4[%add3A_122, %dma_start3A_123] : memref<16384x512xf32, #tpu.memory_space<hbm>> -> memref<64x512xf32, #tpu.memory_space<hbm>>
    %dma_start3A_125 = arith.constant 0 : i32
    %dma_start3A_126 = tpu.memref_slice %arg4[%add3A_122, %dma_start3A_125] : memref<16384x512xf32, #tpu.memory_space<hbm>> -> memref<64x512xf32, #tpu.memory_space<hbm>>
    tpu.enqueue_dma source(%arg8 : memref<64x512xf32, #tpu.memory_space<vmem>>) target(%dma_start3A_126 : memref<64x512xf32, #tpu.memory_space<hbm>>) target_semaphore(%arg14 : memref<!tpu.dma_semaphore, #tpu.memory_space<semaphore_mem>>)
    %dma_wait3A_127 = arith.constant 0 : i32
    %dma_wait3A_128 = tpu.memref_slice %arg4[%add3A_122, %dma_wait3A_127] : memref<16384x512xf32, #tpu.memory_space<hbm>> -> memref<64x512xf32, #tpu.memory_space<hbm>>
    %dma_wait3A_129 = arith.constant 0 : i32
    %dma_wait3A_130 = tpu.memref_slice %arg4[%add3A_122, %dma_wait3A_129] : memref<16384x512xf32, #tpu.memory_space<hbm>> -> memref<64x512xf32, #tpu.memory_space<hbm>>
    tpu.wait_dma2 semaphore(%arg14 : memref<!tpu.dma_semaphore, #tpu.memory_space<semaphore_mem>>) src(%arg8 : memref<64x512xf32, #tpu.memory_space<vmem>>) dst(%dma_wait3A_130 : memref<64x512xf32, #tpu.memory_space<hbm>>)
    %dma_wait3A_131 = arith.constant 384 : i32
    %dma_wait3A_132 = tpu.memref_slice %arg5[%dma_wait3A_131] : memref<512xi32, #tpu.memory_space<vmem>> -> memref<64xi32, #tpu.memory_space<vmem>>
    %dma_wait3A_133 = arith.constant 0 : i32
    %dma_wait3A_134 = arith.constant 0 : i32
    %dma_wait3A_135 = tpu.memref_slice %arg2[%dma_wait3A_133, %dma_wait3A_134] : memref<30000x512xf32, #tpu.memory_space<hbm>> -> memref<30000x512xf32, #tpu.memory_space<hbm>>
    tpu.wait_indirect_dma semaphore(%arg9 : memref<!tpu.dma_semaphore, #tpu.memory_space<semaphore_mem>>) src(%dma_wait3A_135 : memref<30000x512xf32, #tpu.memory_space<hbm>>) dst(%arg6 : memref<64x512xf32, #tpu.memory_space<vmem>>)
    %add3A_136 = arith.constant 384 : i32
    %add3A_137 = arith.addi %mul3A_2, %add3A_136 : i32
    %dma_start3A_138 = arith.constant 0 : i32
    %dma_start3A_139 = tpu.memref_slice %arg4[%add3A_137, %dma_start3A_138] : memref<16384x512xf32, #tpu.memory_space<hbm>> -> memref<64x512xf32, #tpu.memory_space<hbm>>
    %dma_start3A_140 = arith.constant 0 : i32
    %dma_start3A_141 = tpu.memref_slice %arg4[%add3A_137, %dma_start3A_140] : memref<16384x512xf32, #tpu.memory_space<hbm>> -> memref<64x512xf32, #tpu.memory_space<hbm>>
    tpu.enqueue_dma source(%arg6 : memref<64x512xf32, #tpu.memory_space<vmem>>) target(%dma_start3A_141 : memref<64x512xf32, #tpu.memory_space<hbm>>) target_semaphore(%arg12 : memref<!tpu.dma_semaphore, #tpu.memory_space<semaphore_mem>>)
    %dma_wait3A_142 = arith.constant 0 : i32
    %dma_wait3A_143 = tpu.memref_slice %arg4[%add3A_137, %dma_wait3A_142] : memref<16384x512xf32, #tpu.memory_space<hbm>> -> memref<64x512xf32, #tpu.memory_space<hbm>>
    %dma_wait3A_144 = arith.constant 0 : i32
    %dma_wait3A_145 = tpu.memref_slice %arg4[%add3A_137, %dma_wait3A_144] : memref<16384x512xf32, #tpu.memory_space<hbm>> -> memref<64x512xf32, #tpu.memory_space<hbm>>
    tpu.wait_dma2 semaphore(%arg12 : memref<!tpu.dma_semaphore, #tpu.memory_space<semaphore_mem>>) src(%arg6 : memref<64x512xf32, #tpu.memory_space<vmem>>) dst(%dma_wait3A_145 : memref<64x512xf32, #tpu.memory_space<hbm>>)
    %dma_wait3A_146 = arith.constant 448 : i32
    %dma_wait3A_147 = tpu.memref_slice %arg5[%dma_wait3A_146] : memref<512xi32, #tpu.memory_space<vmem>> -> memref<64xi32, #tpu.memory_space<vmem>>
    %dma_wait3A_148 = arith.constant 0 : i32
    %dma_wait3A_149 = arith.constant 0 : i32
    %dma_wait3A_150 = tpu.memref_slice %arg2[%dma_wait3A_148, %dma_wait3A_149] : memref<30000x512xf32, #tpu.memory_space<hbm>> -> memref<30000x512xf32, #tpu.memory_space<hbm>>
    tpu.wait_indirect_dma semaphore(%arg10 : memref<!tpu.dma_semaphore, #tpu.memory_space<semaphore_mem>>) src(%dma_wait3A_150 : memref<30000x512xf32, #tpu.memory_space<hbm>>) dst(%arg7 : memref<64x512xf32, #tpu.memory_space<vmem>>)
    %add3A_151 = arith.constant 448 : i32
    %add3A_152 = arith.addi %mul3A_2, %add3A_151 : i32
    %dma_start3A_153 = arith.constant 0 : i32
    %dma_start3A_154 = tpu.memref_slice %arg4[%add3A_152, %dma_start3A_153] : memref<16384x512xf32, #tpu.memory_space<hbm>> -> memref<64x512xf32, #tpu.memory_space<hbm>>
    %dma_start3A_155 = arith.constant 0 : i32
    %dma_start3A_156 = tpu.memref_slice %arg4[%add3A_152, %dma_start3A_155] : memref<16384x512xf32, #tpu.memory_space<hbm>> -> memref<64x512xf32, #tpu.memory_space<hbm>>
    tpu.enqueue_dma source(%arg7 : memref<64x512xf32, #tpu.memory_space<vmem>>) target(%dma_start3A_156 : memref<64x512xf32, #tpu.memory_space<hbm>>) target_semaphore(%arg13 : memref<!tpu.dma_semaphore, #tpu.memory_space<semaphore_mem>>)
    %dma_wait3A_157 = arith.constant 0 : i32
    %dma_wait3A_158 = tpu.memref_slice %arg4[%add3A_152, %dma_wait3A_157] : memref<16384x512xf32, #tpu.memory_space<hbm>> -> memref<64x512xf32, #tpu.memory_space<hbm>>
    %dma_wait3A_159 = arith.constant 0 : i32
    %dma_wait3A_160 = tpu.memref_slice %arg4[%add3A_152, %dma_wait3A_159] : memref<16384x512xf32, #tpu.memory_space<hbm>> -> memref<64x512xf32, #tpu.memory_space<hbm>>
    tpu.wait_dma2 semaphore(%arg13 : memref<!tpu.dma_semaphore, #tpu.memory_space<semaphore_mem>>) src(%arg7 : memref<64x512xf32, #tpu.memory_space<vmem>>) dst(%dma_wait3A_160 : memref<64x512xf32, #tpu.memory_space<hbm>>)
    return
  }
}

module attributes {stable_mosaic.version = 14 : i64} {
  func.func @_fold_body(%arg0: memref<1024x512xf32, #tpu.memory_space<vmem>>, %arg1: memref<1024x512xf32, #tpu.memory_space<vmem>>, %arg2: memref<1024x3xf32, #tpu.memory_space<vmem>>, %arg3: memref<1x512xf32, #tpu.memory_space<vmem>>, %arg4: memref<1x512xf32, #tpu.memory_space<vmem>>, %arg5: memref<1x3xf32, #tpu.memory_space<vmem>>, %arg6: memref<1024x3xf32, #tpu.memory_space<vmem>>, %arg7: memref<1024x3xf32, #tpu.memory_space<vmem>>, %arg8: memref<1x3xf32, #tpu.memory_space<vmem>>) attributes {dimension_semantics = [], scalar_prefetch = 0 : i64, scratch_operands = 0 : i64, tpu.core_type = #tpu.core_type<tc>} {
    %get3A = arith.constant 0 : index
    %get3A_0 = arith.constant 0 : index
    %get3A_1 = vector.load %arg2[%get3A, %get3A_0] : memref<1024x3xf32, #tpu.memory_space<vmem>>, vector<512x3xf32>
    %get3A_2 = arith.constant 512 : index
    %get3A_3 = arith.constant 0 : index
    %get3A_4 = vector.load %arg2[%get3A_2, %get3A_3] : memref<1024x3xf32, #tpu.memory_space<vmem>>, vector<512x3xf32>
    %get3A_5 = arith.constant 0 : index
    %get3A_6 = arith.constant 0 : index
    %get3A_7 = vector.load %arg0[%get3A_5, %get3A_6] : memref<1024x512xf32, #tpu.memory_space<vmem>>, vector<1024x512xf32>
    %dot_general3A = arith.constant dense<0.000000e+00> : vector<1024x3xf32>
    %dot_general3A_8 = tpu.matmul %get3A_7, %get3A_1, %dot_general3A {dimension_numbers = #tpu.dot_dimension_numbers<[1], [0], [0], [1], [0, 0, 1, 1], [], []>, transpose_lhs_hint = false} : vector<1024x512xf32>, vector<512x3xf32>, vector<1024x3xf32> -> vector<1024x3xf32>
    %swap3A = arith.constant 0 : index
    %swap3A_9 = arith.constant 0 : index
    %swap3A_10 = vector.load %arg6[%swap3A, %swap3A_9] : memref<1024x3xf32, #tpu.memory_space<vmem>>, vector<1024x3xf32>
    tpu.vector_store %arg6[%swap3A, %swap3A_9], %dot_general3A_8 {strides = array<i32>} : memref<1024x3xf32, #tpu.memory_space<vmem>>, vector<1024x3xf32>,
    %get3A_11 = arith.constant 0 : index
    %get3A_12 = arith.constant 0 : index
    %get3A_13 = vector.load %arg1[%get3A_11, %get3A_12] : memref<1024x512xf32, #tpu.memory_space<vmem>>, vector<1024x512xf32>
    %dot_general3A_14 = arith.constant dense<0.000000e+00> : vector<1024x3xf32>
    %dot_general3A_15 = tpu.matmul %get3A_13, %get3A_4, %dot_general3A_14 {dimension_numbers = #tpu.dot_dimension_numbers<[1], [0], [0], [1], [0, 0, 1, 1], [], []>, transpose_lhs_hint = false} : vector<1024x512xf32>, vector<512x3xf32>, vector<1024x3xf32> -> vector<1024x3xf32>
    %swap3A_16 = arith.constant 0 : index
    %swap3A_17 = arith.constant 0 : index
    %swap3A_18 = vector.load %arg7[%swap3A_16, %swap3A_17] : memref<1024x3xf32, #tpu.memory_space<vmem>>, vector<1024x3xf32>
    tpu.vector_store %arg7[%swap3A_16, %swap3A_17], %dot_general3A_15 {strides = array<i32>} : memref<1024x3xf32, #tpu.memory_space<vmem>>, vector<1024x3xf32>,
    %get3A_19 = arith.constant 0 : index
    %get3A_20 = arith.constant 0 : index
    %get3A_21 = vector.load %arg3[%get3A_19, %get3A_20] : memref<1x512xf32, #tpu.memory_space<vmem>>, vector<1x512xf32>
    %dot_general3A_22 = arith.constant dense<0.000000e+00> : vector<1x3xf32>
    %dot_general3A_23 = tpu.matmul %get3A_21, %get3A_1, %dot_general3A_22 {dimension_numbers = #tpu.dot_dimension_numbers<[1], [0], [0], [1], [0, 0, 1, 1], [], []>, transpose_lhs_hint = false} : vector<1x512xf32>, vector<512x3xf32>, vector<1x3xf32> -> vector<1x3xf32>
    %get3A_24 = arith.constant 0 : index
    %get3A_25 = arith.constant 0 : index
    %get3A_26 = vector.load %arg4[%get3A_24, %get3A_25] : memref<1x512xf32, #tpu.memory_space<vmem>>, vector<1x512xf32>
    %dot_general3A_27 = arith.constant dense<0.000000e+00> : vector<1x3xf32>
    %dot_general3A_28 = tpu.matmul %get3A_26, %get3A_4, %dot_general3A_27 {dimension_numbers = #tpu.dot_dimension_numbers<[1], [0], [0], [1], [0, 0, 1, 1], [], []>, transpose_lhs_hint = false} : vector<1x512xf32>, vector<512x3xf32>, vector<1x3xf32> -> vector<1x3xf32>
    %add3A = arith.addf %dot_general3A_23, %dot_general3A_28 : vector<1x3xf32>
    %get3A_29 = arith.constant 0 : index
    %get3A_30 = arith.constant 0 : index
    %get3A_31 = vector.load %arg5[%get3A_29, %get3A_30] : memref<1x3xf32, #tpu.memory_space<vmem>>, vector<1x3xf32>
    %add3A_32 = arith.addf %add3A, %get3A_31 : vector<1x3xf32>
    %swap3A_33 = arith.constant 0 : index
    %swap3A_34 = arith.constant 0 : index
    %swap3A_35 = vector.load %arg8[%swap3A_33, %swap3A_34] : memref<1x3xf32, #tpu.memory_space<vmem>>, vector<1x3xf32>
    tpu.vector_store %arg8[%swap3A_33, %swap3A_34], %add3A_32 {strides = array<i32>} : memref<1x3xf32, #tpu.memory_space<vmem>>, vector<1x3xf32>,
    return
  }
}

module attributes {stable_mosaic.version = 14 : i64} {
  func.func @_main_body(%arg0: i32, %arg1: memref<16x128x512xf32, #tpu.memory_space<vmem>>, %arg2: memref<16x128x128xf32, #tpu.memory_space<vmem>>, %arg3: memref<16x128x128xf32, #tpu.memory_space<vmem>>, %arg4: memref<512x1024xbf16, #tpu.memory_space<vmem>>, %arg5: memref<512x1024xbf16, #tpu.memory_space<vmem>>, %arg6: memref<1x1024xbf16, #tpu.memory_space<vmem>>, %arg7: memref<1x1024xbf16, #tpu.memory_space<vmem>>, %arg8: memref<1024x3xbf16, #tpu.memory_space<vmem>>, %arg9: memref<1024x3xbf16, #tpu.memory_space<vmem>>, %arg10: memref<1x3xf32, #tpu.memory_space<vmem>>, %arg11: memref<16x128x3xf32, #tpu.memory_space<vmem>>) attributes {dimension_semantics = [#tpu.dimension_semantics<arbitrary>], iteration_bounds = array<i64: 8>, scalar_prefetch = 0 : i64, scratch_operands = 0 : i64, tpu.core_type = #tpu.core_type<tc>, window_params = [{transform_indices = @transform_0, window_bounds = array<i64: 16, 128, 512>}, {transform_indices = @transform_1, window_bounds = array<i64: 16, 128, 128>}, {transform_indices = @transform_2, window_bounds = array<i64: 16, 128, 128>}, {pipeline_mode = #tpu.pipeline_mode<synchronous>, transform_indices = @transform_3, window_bounds = array<i64: 512, 1024>}, {pipeline_mode = #tpu.pipeline_mode<synchronous>, transform_indices = @transform_4, window_bounds = array<i64: 512, 1024>}, {pipeline_mode = #tpu.pipeline_mode<synchronous>, transform_indices = @transform_5, window_bounds = array<i64: 1, 1024>}, {pipeline_mode = #tpu.pipeline_mode<synchronous>, transform_indices = @transform_6, window_bounds = array<i64: 1, 1024>}, {pipeline_mode = #tpu.pipeline_mode<synchronous>, transform_indices = @transform_7, window_bounds = array<i64: 1024, 3>}, {pipeline_mode = #tpu.pipeline_mode<synchronous>, transform_indices = @transform_8, window_bounds = array<i64: 1024, 3>}, {pipeline_mode = #tpu.pipeline_mode<synchronous>, transform_indices = @transform_9, window_bounds = array<i64: 1, 3>}, {transform_indices = @transform_10, window_bounds = array<i64: 16, 128, 3>}]} {
    %get3A = arith.constant 0 : index
    %get3A_0 = arith.constant 0 : index
    %get3A_1 = arith.constant 0 : index
    %get3A_2 = vector.load %arg1[%get3A, %get3A_0, %get3A_1] : memref<16x128x512xf32, #tpu.memory_space<vmem>>, vector<16x128x512xf32>
    %reshape3A = vector.shape_cast %get3A_2 : vector<16x128x512xf32> to vector<2048x512xf32>
    %convert_element_type3A = arith.truncf %reshape3A : vector<2048x512xf32> to vector<2048x512xbf16>
    %get3A_3 = arith.constant 0 : index
    %get3A_4 = arith.constant 0 : index
    %get3A_5 = vector.load %arg4[%get3A_3, %get3A_4] : memref<512x1024xbf16, #tpu.memory_space<vmem>>, vector<512x1024xbf16>
    %dot_general3A = arith.constant dense<0.000000e+00> : vector<2048x1024xf32>
    %dot_general3A_6 = tpu.matmul %convert_element_type3A, %get3A_5, %dot_general3A {dimension_numbers = #tpu.dot_dimension_numbers<[1], [0], [0], [1], [0, 0, 1, 1], [], []>, transpose_lhs_hint = false} : vector<2048x512xbf16>, vector<512x1024xbf16>, vector<2048x1024xf32> -> vector<2048x1024xf32>
    %convert_element_type3A_7 = arith.truncf %dot_general3A_6 : vector<2048x1024xf32> to vector<2048x1024xbf16>
    %get3A_8 = arith.constant 0 : index
    %get3A_9 = arith.constant 0 : index
    %get3A_10 = vector.load %arg5[%get3A_8, %get3A_9] : memref<512x1024xbf16, #tpu.memory_space<vmem>>, vector<512x1024xbf16>
    %dot_general3A_11 = arith.constant dense<0.000000e+00> : vector<2048x1024xf32>
    %dot_general3A_12 = tpu.matmul %convert_element_type3A, %get3A_10, %dot_general3A_11 {dimension_numbers = #tpu.dot_dimension_numbers<[1], [0], [0], [1], [0, 0, 1, 1], [], []>, transpose_lhs_hint = false} : vector<2048x512xbf16>, vector<512x1024xbf16>, vector<2048x1024xf32> -> vector<2048x1024xf32>
    %convert_element_type3A_13 = arith.truncf %dot_general3A_12 : vector<2048x1024xf32> to vector<2048x1024xbf16>
    %get3A_14 = arith.constant 0 : index
    %get3A_15 = arith.constant 0 : index
    %get3A_16 = arith.constant 0 : index
    %get3A_17 = vector.load %arg2[%get3A_14, %get3A_15, %get3A_16] : memref<16x128x128xf32, #tpu.memory_space<vmem>>, vector<1x128x128xf32>
    %get3A_18 = vector.shape_cast %get3A_17 : vector<1x128x128xf32> to vector<128x128xf32>
    %convert_element_type3A_19 = arith.truncf %get3A_18 : vector<128x128xf32> to vector<128x128xbf16>
    %get3A_20 = arith.constant 0 : index
    %get3A_21 = arith.constant 0 : index
    %get3A_22 = arith.constant 0 : index
    %get3A_23 = vector.load %arg3[%get3A_20, %get3A_21, %get3A_22] : memref<16x128x128xf32, #tpu.memory_space<vmem>>, vector<1x128x128xf32>
    %get3A_24 = vector.shape_cast %get3A_23 : vector<1x128x128xf32> to vector<128x128xf32>
    %convert_element_type3A_25 = arith.truncf %get3A_24 : vector<128x128xf32> to vector<128x128xbf16>
    %slice3A = vector.extract_strided_slice %convert_element_type3A_7 {offsets = [0, 0], sizes = [128, 1024], strides = [1, 1]} : vector<2048x1024xbf16> to vector<128x1024xbf16>
    %slice3A_26 = vector.extract_strided_slice %convert_element_type3A_13 {offsets = [0, 0], sizes = [128, 1024], strides = [1, 1]} : vector<2048x1024xbf16> to vector<128x1024xbf16>
    %dot_general3A_27 = arith.constant dense<0.000000e+00> : vector<128x1024xf32>
    %dot_general3A_28 = tpu.matmul %convert_element_type3A_19, %slice3A, %dot_general3A_27 {dimension_numbers = #tpu.dot_dimension_numbers<[1], [0], [0], [1], [0, 0, 1, 1], [], []>, transpose_lhs_hint = false} : vector<128x128xbf16>, vector<128x1024xbf16>, vector<128x1024xf32> -> vector<128x1024xf32>
    %convert_element_type3A_29 = arith.truncf %dot_general3A_28 : vector<128x1024xf32> to vector<128x1024xbf16>
    %get3A_30 = arith.constant 0 : index
    %get3A_31 = arith.constant 0 : index
    %get3A_32 = vector.load %arg6[%get3A_30, %get3A_31] : memref<1x1024xbf16, #tpu.memory_space<vmem>>, vector<1x1024xbf16>
    %add3A = vector.broadcast %get3A_32 : vector<1x1024xbf16> to vector<128x1024xbf16>
    %add3A_33 = arith.addf %convert_element_type3A_29, %add3A : vector<128x1024xbf16>
    %max3A = arith.constant 0.000000e+00 : bf16
    %max3A_34 = vector.broadcast %max3A : bf16 to vector<128x1024xbf16>
    %max3A_35 = arith.maximumf %add3A_33, %max3A_34 : vector<128x1024xbf16>
    %dot_general3A_36 = arith.constant dense<0.000000e+00> : vector<128x1024xf32>
    %dot_general3A_37 = tpu.matmul %convert_element_type3A_25, %slice3A_26, %dot_general3A_36 {dimension_numbers = #tpu.dot_dimension_numbers<[1], [0], [0], [1], [0, 0, 1, 1], [], []>, transpose_lhs_hint = false} : vector<128x128xbf16>, vector<128x1024xbf16>, vector<128x1024xf32> -> vector<128x1024xf32>
    %convert_element_type3A_38 = arith.truncf %dot_general3A_37 : vector<128x1024xf32> to vector<128x1024xbf16>
    %get3A_39 = arith.constant 0 : index
    %get3A_40 = arith.constant 0 : index
    %get3A_41 = vector.load %arg7[%get3A_39, %get3A_40] : memref<1x1024xbf16, #tpu.memory_space<vmem>>, vector<1x1024xbf16>
    %add3A_42 = vector.broadcast %get3A_41 : vector<1x1024xbf16> to vector<128x1024xbf16>
    %add3A_43 = arith.addf %convert_element_type3A_38, %add3A_42 : vector<128x1024xbf16>
    %max3A_44 = arith.constant 0.000000e+00 : bf16
    %max3A_45 = vector.broadcast %max3A_44 : bf16 to vector<128x1024xbf16>
    %max3A_46 = arith.maximumf %add3A_43, %max3A_45 : vector<128x1024xbf16>
    %get3A_47 = arith.constant 0 : index
    %get3A_48 = arith.constant 0 : index
    %get3A_49 = vector.load %arg8[%get3A_47, %get3A_48] : memref<1024x3xbf16, #tpu.memory_space<vmem>>, vector<1024x3xbf16>
    %dot_general3A_50 = arith.constant dense<0.000000e+00> : vector<128x3xf32>
    %dot_general3A_51 = tpu.matmul %max3A_35, %get3A_49, %dot_general3A_50 {dimension_numbers = #tpu.dot_dimension_numbers<[1], [0], [0], [1], [0, 0, 1, 1], [], []>, transpose_lhs_hint = false} : vector<128x1024xbf16>, vector<1024x3xbf16>, vector<128x3xf32> -> vector<128x3xf32>
    %get3A_52 = arith.constant 0 : index
    %get3A_53 = arith.constant 0 : index
    %get3A_54 = vector.load %arg9[%get3A_52, %get3A_53] : memref<1024x3xbf16, #tpu.memory_space<vmem>>, vector<1024x3xbf16>
    %dot_general3A_55 = arith.constant dense<0.000000e+00> : vector<128x3xf32>
    %dot_general3A_56 = tpu.matmul %max3A_46, %get3A_54, %dot_general3A_55 {dimension_numbers = #tpu.dot_dimension_numbers<[1], [0], [0], [1], [0, 0, 1, 1], [], []>, transpose_lhs_hint = false} : vector<128x1024xbf16>, vector<1024x3xbf16>, vector<128x3xf32> -> vector<128x3xf32>
    %convert_element_type3A_57 = arith.truncf %dot_general3A_51 : vector<128x3xf32> to vector<128x3xbf16>
    %dot_general3A_58 = arith.constant dense<0.000000e+00> : vector<128x3xf32>
    %dot_general3A_59 = tpu.matmul %convert_element_type3A_19, %convert_element_type3A_57, %dot_general3A_58 {dimension_numbers = #tpu.dot_dimension_numbers<[1], [0], [0], [1], [0, 0, 1, 1], [], []>, transpose_lhs_hint = false} : vector<128x128xbf16>, vector<128x3xbf16>, vector<128x3xf32> -> vector<128x3xf32>
    %convert_element_type3A_60 = arith.truncf %dot_general3A_56 : vector<128x3xf32> to vector<128x3xbf16>
    %dot_general3A_61 = arith.constant dense<0.000000e+00> : vector<128x3xf32>
    %dot_general3A_62 = tpu.matmul %convert_element_type3A_25, %convert_element_type3A_60, %dot_general3A_61 {dimension_numbers = #tpu.dot_dimension_numbers<[1], [0], [0], [1], [0, 0, 1, 1], [], []>, transpose_lhs_hint = false} : vector<128x128xbf16>, vector<128x3xbf16>, vector<128x3xf32> -> vector<128x3xf32>
    %add3A_63 = arith.addf %dot_general3A_59, %dot_general3A_62 : vector<128x3xf32>
    %get3A_64 = arith.constant 0 : index
    %get3A_65 = arith.constant 0 : index
    %get3A_66 = vector.load %arg10[%get3A_64, %get3A_65] : memref<1x3xf32, #tpu.memory_space<vmem>>, vector<1x3xf32>
    %add3A_67 = vector.broadcast %get3A_66 : vector<1x3xf32> to vector<128x3xf32>
    %add3A_68 = arith.addf %add3A_63, %add3A_67 : vector<128x3xf32>
    %swap3A = arith.constant 0 : index
    %swap3A_69 = arith.constant 0 : index
    %swap3A_70 = arith.constant 0 : index
    %swap3A_71 = vector.load %arg11[%swap3A, %swap3A_69, %swap3A_70] : memref<16x128x3xf32, #tpu.memory_space<vmem>>, vector<1x128x3xf32>
    %swap3A_72 = vector.shape_cast %swap3A_71 : vector<1x128x3xf32> to vector<128x3xf32>
    %swap3A_73 = vector.shape_cast %add3A_68 : vector<128x3xf32> to vector<1x128x3xf32>
    tpu.vector_store %arg11[%swap3A, %swap3A_69, %swap3A_70], %swap3A_73 {strides = array<i32>} : memref<16x128x3xf32, #tpu.memory_space<vmem>>, vector<1x128x3xf32>,
    %get3A_74 = arith.constant 1 : index
    %get3A_75 = arith.constant 0 : index
    %get3A_76 = arith.constant 0 : index
    %get3A_77 = vector.load %arg2[%get3A_74, %get3A_75, %get3A_76] : memref<16x128x128xf32, #tpu.memory_space<vmem>>, vector<1x128x128xf32>
    %get3A_78 = vector.shape_cast %get3A_77 : vector<1x128x128xf32> to vector<128x128xf32>
    %convert_element_type3A_79 = arith.truncf %get3A_78 : vector<128x128xf32> to vector<128x128xbf16>
    %get3A_80 = arith.constant 1 : index
    %get3A_81 = arith.constant 0 : index
    %get3A_82 = arith.constant 0 : index
    %get3A_83 = vector.load %arg3[%get3A_80, %get3A_81, %get3A_82] : memref<16x128x128xf32, #tpu.memory_space<vmem>>, vector<1x128x128xf32>
    %get3A_84 = vector.shape_cast %get3A_83 : vector<1x128x128xf32> to vector<128x128xf32>
    %convert_element_type3A_85 = arith.truncf %get3A_84 : vector<128x128xf32> to vector<128x128xbf16>
    %slice3A_86 = vector.extract_strided_slice %convert_element_type3A_7 {offsets = [128, 0], sizes = [128, 1024], strides = [1, 1]} : vector<2048x1024xbf16> to vector<128x1024xbf16>
    %slice3A_87 = vector.extract_strided_slice %convert_element_type3A_13 {offsets = [128, 0], sizes = [128, 1024], strides = [1, 1]} : vector<2048x1024xbf16> to vector<128x1024xbf16>
    %dot_general3A_88 = arith.constant dense<0.000000e+00> : vector<128x1024xf32>
    %dot_general3A_89 = tpu.matmul %convert_element_type3A_79, %slice3A_86, %dot_general3A_88 {dimension_numbers = #tpu.dot_dimension_numbers<[1], [0], [0], [1], [0, 0, 1, 1], [], []>, transpose_lhs_hint = false} : vector<128x128xbf16>, vector<128x1024xbf16>, vector<128x1024xf32> -> vector<128x1024xf32>
    %convert_element_type3A_90 = arith.truncf %dot_general3A_89 : vector<128x1024xf32> to vector<128x1024xbf16>
    %get3A_91 = arith.constant 0 : index
    %get3A_92 = arith.constant 0 : index
    %get3A_93 = vector.load %arg6[%get3A_91, %get3A_92] : memref<1x1024xbf16, #tpu.memory_space<vmem>>, vector<1x1024xbf16>
    %add3A_94 = vector.broadcast %get3A_93 : vector<1x1024xbf16> to vector<128x1024xbf16>
    %add3A_95 = arith.addf %convert_element_type3A_90, %add3A_94 : vector<128x1024xbf16>
    %max3A_96 = arith.constant 0.000000e+00 : bf16
    %max3A_97 = vector.broadcast %max3A_96 : bf16 to vector<128x1024xbf16>
    %max3A_98 = arith.maximumf %add3A_95, %max3A_97 : vector<128x1024xbf16>
    %dot_general3A_99 = arith.constant dense<0.000000e+00> : vector<128x1024xf32>
    %dot_general3A_100 = tpu.matmul %convert_element_type3A_85, %slice3A_87, %dot_general3A_99 {dimension_numbers = #tpu.dot_dimension_numbers<[1], [0], [0], [1], [0, 0, 1, 1], [], []>, transpose_lhs_hint = false} : vector<128x128xbf16>, vector<128x1024xbf16>, vector<128x1024xf32> -> vector<128x1024xf32>
    %convert_element_type3A_101 = arith.truncf %dot_general3A_100 : vector<128x1024xf32> to vector<128x1024xbf16>
    %get3A_102 = arith.constant 0 : index
    %get3A_103 = arith.constant 0 : index
    %get3A_104 = vector.load %arg7[%get3A_102, %get3A_103] : memref<1x1024xbf16, #tpu.memory_space<vmem>>, vector<1x1024xbf16>
    %add3A_105 = vector.broadcast %get3A_104 : vector<1x1024xbf16> to vector<128x1024xbf16>
    %add3A_106 = arith.addf %convert_element_type3A_101, %add3A_105 : vector<128x1024xbf16>
    %max3A_107 = arith.constant 0.000000e+00 : bf16
    %max3A_108 = vector.broadcast %max3A_107 : bf16 to vector<128x1024xbf16>
    %max3A_109 = arith.maximumf %add3A_106, %max3A_108 : vector<128x1024xbf16>
    %get3A_110 = arith.constant 0 : index
    %get3A_111 = arith.constant 0 : index
    %get3A_112 = vector.load %arg8[%get3A_110, %get3A_111] : memref<1024x3xbf16, #tpu.memory_space<vmem>>, vector<1024x3xbf16>
    %dot_general3A_113 = arith.constant dense<0.000000e+00> : vector<128x3xf32>
    %dot_general3A_114 = tpu.matmul %max3A_98, %get3A_112, %dot_general3A_113 {dimension_numbers = #tpu.dot_dimension_numbers<[1], [0], [0], [1], [0, 0, 1, 1], [], []>, transpose_lhs_hint = false} : vector<128x1024xbf16>, vector<1024x3xbf16>, vector<128x3xf32> -> vector<128x3xf32>
    %get3A_115 = arith.constant 0 : index
    %get3A_116 = arith.constant 0 : index
    %get3A_117 = vector.load %arg9[%get3A_115, %get3A_116] : memref<1024x3xbf16, #tpu.memory_space<vmem>>, vector<1024x3xbf16>
    %dot_general3A_118 = arith.constant dense<0.000000e+00> : vector<128x3xf32>
    %dot_general3A_119 = tpu.matmul %max3A_109, %get3A_117, %dot_general3A_118 {dimension_numbers = #tpu.dot_dimension_numbers<[1], [0], [0], [1], [0, 0, 1, 1], [], []>, transpose_lhs_hint = false} : vector<128x1024xbf16>, vector<1024x3xbf16>, vector<128x3xf32> -> vector<128x3xf32>
    %convert_element_type3A_120 = arith.truncf %dot_general3A_114 : vector<128x3xf32> to vector<128x3xbf16>
    %dot_general3A_121 = arith.constant dense<0.000000e+00> : vector<128x3xf32>
    %dot_general3A_122 = tpu.matmul %convert_element_type3A_79, %convert_element_type3A_120, %dot_general3A_121 {dimension_numbers = #tpu.dot_dimension_numbers<[1], [0], [0], [1], [0, 0, 1, 1], [], []>, transpose_lhs_hint = false} : vector<128x128xbf16>, vector<128x3xbf16>, vector<128x3xf32> -> vector<128x3xf32>
    %convert_element_type3A_123 = arith.truncf %dot_general3A_119 : vector<128x3xf32> to vector<128x3xbf16>
    %dot_general3A_124 = arith.constant dense<0.000000e+00> : vector<128x3xf32>
    %dot_general3A_125 = tpu.matmul %convert_element_type3A_85, %convert_element_type3A_123, %dot_general3A_124 {dimension_numbers = #tpu.dot_dimension_numbers<[1], [0], [0], [1], [0, 0, 1, 1], [], []>, transpose_lhs_hint = false} : vector<128x128xbf16>, vector<128x3xbf16>, vector<128x3xf32> -> vector<128x3xf32>
    %add3A_126 = arith.addf %dot_general3A_122, %dot_general3A_125 : vector<128x3xf32>
    %get3A_127 = arith.constant 0 : index
    %get3A_128 = arith.constant 0 : index
    %get3A_129 = vector.load %arg10[%get3A_127, %get3A_128] : memref<1x3xf32, #tpu.memory_space<vmem>>, vector<1x3xf32>
    %add3A_130 = vector.broadcast %get3A_129 : vector<1x3xf32> to vector<128x3xf32>
    %add3A_131 = arith.addf %add3A_126, %add3A_130 : vector<128x3xf32>
    %swap3A_132 = arith.constant 1 : index
    %swap3A_133 = arith.constant 0 : index
    %swap3A_134 = arith.constant 0 : index
    %swap3A_135 = vector.load %arg11[%swap3A_132, %swap3A_133, %swap3A_134] : memref<16x128x3xf32, #tpu.memory_space<vmem>>, vector<1x128x3xf32>
    %swap3A_136 = vector.shape_cast %swap3A_135 : vector<1x128x3xf32> to vector<128x3xf32>
    %swap3A_137 = vector.shape_cast %add3A_131 : vector<128x3xf32> to vector<1x128x3xf32>
    tpu.vector_store %arg11[%swap3A_132, %swap3A_133, %swap3A_134], %swap3A_137 {strides = array<i32>} : memref<16x128x3xf32, #tpu.memory_space<vmem>>, vector<1x128x3xf32>,
    %get3A_138 = arith.constant 2 : index
    %get3A_139 = arith.constant 0 : index
    %get3A_140 = arith.constant 0 : index
    %get3A_141 = vector.load %arg2[%get3A_138, %get3A_139, %get3A_140] : memref<16x128x128xf32, #tpu.memory_space<vmem>>, vector<1x128x128xf32>
    %get3A_142 = vector.shape_cast %get3A_141 : vector<1x128x128xf32> to vector<128x128xf32>
    %convert_element_type3A_143 = arith.truncf %get3A_142 : vector<128x128xf32> to vector<128x128xbf16>
    %get3A_144 = arith.constant 2 : index
    %get3A_145 = arith.constant 0 : index
    %get3A_146 = arith.constant 0 : index
    %get3A_147 = vector.load %arg3[%get3A_144, %get3A_145, %get3A_146] : memref<16x128x128xf32, #tpu.memory_space<vmem>>, vector<1x128x128xf32>
    %get3A_148 = vector.shape_cast %get3A_147 : vector<1x128x128xf32> to vector<128x128xf32>
    %convert_element_type3A_149 = arith.truncf %get3A_148 : vector<128x128xf32> to vector<128x128xbf16>
    %slice3A_150 = vector.extract_strided_slice %convert_element_type3A_7 {offsets = [256, 0], sizes = [128, 1024], strides = [1, 1]} : vector<2048x1024xbf16> to vector<128x1024xbf16>
    %slice3A_151 = vector.extract_strided_slice %convert_element_type3A_13 {offsets = [256, 0], sizes = [128, 1024], strides = [1, 1]} : vector<2048x1024xbf16> to vector<128x1024xbf16>
    %dot_general3A_152 = arith.constant dense<0.000000e+00> : vector<128x1024xf32>
    %dot_general3A_153 = tpu.matmul %convert_element_type3A_143, %slice3A_150, %dot_general3A_152 {dimension_numbers = #tpu.dot_dimension_numbers<[1], [0], [0], [1], [0, 0, 1, 1], [], []>, transpose_lhs_hint = false} : vector<128x128xbf16>, vector<128x1024xbf16>, vector<128x1024xf32> -> vector<128x1024xf32>
    %convert_element_type3A_154 = arith.truncf %dot_general3A_153 : vector<128x1024xf32> to vector<128x1024xbf16>
    %get3A_155 = arith.constant 0 : index
    %get3A_156 = arith.constant 0 : index
    %get3A_157 = vector.load %arg6[%get3A_155, %get3A_156] : memref<1x1024xbf16, #tpu.memory_space<vmem>>, vector<1x1024xbf16>
    %add3A_158 = vector.broadcast %get3A_157 : vector<1x1024xbf16> to vector<128x1024xbf16>
    %add3A_159 = arith.addf %convert_element_type3A_154, %add3A_158 : vector<128x1024xbf16>
    %max3A_160 = arith.constant 0.000000e+00 : bf16
    %max3A_161 = vector.broadcast %max3A_160 : bf16 to vector<128x1024xbf16>
    %max3A_162 = arith.maximumf %add3A_159, %max3A_161 : vector<128x1024xbf16>
    %dot_general3A_163 = arith.constant dense<0.000000e+00> : vector<128x1024xf32>
    %dot_general3A_164 = tpu.matmul %convert_element_type3A_149, %slice3A_151, %dot_general3A_163 {dimension_numbers = #tpu.dot_dimension_numbers<[1], [0], [0], [1], [0, 0, 1, 1], [], []>, transpose_lhs_hint = false} : vector<128x128xbf16>, vector<128x1024xbf16>, vector<128x1024xf32> -> vector<128x1024xf32>
    %convert_element_type3A_165 = arith.truncf %dot_general3A_164 : vector<128x1024xf32> to vector<128x1024xbf16>
    %get3A_166 = arith.constant 0 : index
    %get3A_167 = arith.constant 0 : index
    %get3A_168 = vector.load %arg7[%get3A_166, %get3A_167] : memref<1x1024xbf16, #tpu.memory_space<vmem>>, vector<1x1024xbf16>
    %add3A_169 = vector.broadcast %get3A_168 : vector<1x1024xbf16> to vector<128x1024xbf16>
    %add3A_170 = arith.addf %convert_element_type3A_165, %add3A_169 : vector<128x1024xbf16>
    %max3A_171 = arith.constant 0.000000e+00 : bf16
    %max3A_172 = vector.broadcast %max3A_171 : bf16 to vector<128x1024xbf16>
    %max3A_173 = arith.maximumf %add3A_170, %max3A_172 : vector<128x1024xbf16>
    %get3A_174 = arith.constant 0 : index
    %get3A_175 = arith.constant 0 : index
    %get3A_176 = vector.load %arg8[%get3A_174, %get3A_175] : memref<1024x3xbf16, #tpu.memory_space<vmem>>, vector<1024x3xbf16>
    %dot_general3A_177 = arith.constant dense<0.000000e+00> : vector<128x3xf32>
    %dot_general3A_178 = tpu.matmul %max3A_162, %get3A_176, %dot_general3A_177 {dimension_numbers = #tpu.dot_dimension_numbers<[1], [0], [0], [1], [0, 0, 1, 1], [], []>, transpose_lhs_hint = false} : vector<128x1024xbf16>, vector<1024x3xbf16>, vector<128x3xf32> -> vector<128x3xf32>
    %get3A_179 = arith.constant 0 : index
    %get3A_180 = arith.constant 0 : index
    %get3A_181 = vector.load %arg9[%get3A_179, %get3A_180] : memref<1024x3xbf16, #tpu.memory_space<vmem>>, vector<1024x3xbf16>
    %dot_general3A_182 = arith.constant dense<0.000000e+00> : vector<128x3xf32>
    %dot_general3A_183 = tpu.matmul %max3A_173, %get3A_181, %dot_general3A_182 {dimension_numbers = #tpu.dot_dimension_numbers<[1], [0], [0], [1], [0, 0, 1, 1], [], []>, transpose_lhs_hint = false} : vector<128x1024xbf16>, vector<1024x3xbf16>, vector<128x3xf32> -> vector<128x3xf32>
    %convert_element_type3A_184 = arith.truncf %dot_general3A_178 : vector<128x3xf32> to vector<128x3xbf16>
    %dot_general3A_185 = arith.constant dense<0.000000e+00> : vector<128x3xf32>
    %dot_general3A_186 = tpu.matmul %convert_element_type3A_143, %convert_element_type3A_184, %dot_general3A_185 {dimension_numbers = #tpu.dot_dimension_numbers<[1], [0], [0], [1], [0, 0, 1, 1], [], []>, transpose_lhs_hint = false} : vector<128x128xbf16>, vector<128x3xbf16>, vector<128x3xf32> -> vector<128x3xf32>
    %convert_element_type3A_187 = arith.truncf %dot_general3A_183 : vector<128x3xf32> to vector<128x3xbf16>
    %dot_general3A_188 = arith.constant dense<0.000000e+00> : vector<128x3xf32>
    %dot_general3A_189 = tpu.matmul %convert_element_type3A_149, %convert_element_type3A_187, %dot_general3A_188 {dimension_numbers = #tpu.dot_dimension_numbers<[1], [0], [0], [1], [0, 0, 1, 1], [], []>, transpose_lhs_hint = false} : vector<128x128xbf16>, vector<128x3xbf16>, vector<128x3xf32> -> vector<128x3xf32>
    %add3A_190 = arith.addf %dot_general3A_186, %dot_general3A_189 : vector<128x3xf32>
    %get3A_191 = arith.constant 0 : index
    %get3A_192 = arith.constant 0 : index
    %get3A_193 = vector.load %arg10[%get3A_191, %get3A_192] : memref<1x3xf32, #tpu.memory_space<vmem>>, vector<1x3xf32>
    %add3A_194 = vector.broadcast %get3A_193 : vector<1x3xf32> to vector<128x3xf32>
    %add3A_195 = arith.addf %add3A_190, %add3A_194 : vector<128x3xf32>
    %swap3A_196 = arith.constant 2 : index
    %swap3A_197 = arith.constant 0 : index
    %swap3A_198 = arith.constant 0 : index
    %swap3A_199 = vector.load %arg11[%swap3A_196, %swap3A_197, %swap3A_198] : memref<16x128x3xf32, #tpu.memory_space<vmem>>, vector<1x128x3xf32>
    %swap3A_200 = vector.shape_cast %swap3A_199 : vector<1x128x3xf32> to vector<128x3xf32>
    %swap3A_201 = vector.shape_cast %add3A_195 : vector<128x3xf32> to vector<1x128x3xf32>
    tpu.vector_store %arg11[%swap3A_196, %swap3A_197, %swap3A_198], %swap3A_201 {strides = array<i32>} : memref<16x128x3xf32, #tpu.memory_space<vmem>>, vector<1x128x3xf32>,
    %get3A_202 = arith.constant 3 : index
    %get3A_203 = arith.constant 0 : index
    %get3A_204 = arith.constant 0 : index
    %get3A_205 = vector.load %arg2[%get3A_202, %get3A_203, %get3A_204] : memref<16x128x128xf32, #tpu.memory_space<vmem>>, vector<1x128x128xf32>
    %get3A_206 = vector.shape_cast %get3A_205 : vector<1x128x128xf32> to vector<128x128xf32>
    %convert_element_type3A_207 = arith.truncf %get3A_206 : vector<128x128xf32> to vector<128x128xbf16>
    %get3A_208 = arith.constant 3 : index
    %get3A_209 = arith.constant 0 : index
    %get3A_210 = arith.constant 0 : index
    %get3A_211 = vector.load %arg3[%get3A_208, %get3A_209, %get3A_210] : memref<16x128x128xf32, #tpu.memory_space<vmem>>, vector<1x128x128xf32>
    %get3A_212 = vector.shape_cast %get3A_211 : vector<1x128x128xf32> to vector<128x128xf32>
    %convert_element_type3A_213 = arith.truncf %get3A_212 : vector<128x128xf32> to vector<128x128xbf16>
    %slice3A_214 = vector.extract_strided_slice %convert_element_type3A_7 {offsets = [384, 0], sizes = [128, 1024], strides = [1, 1]} : vector<2048x1024xbf16> to vector<128x1024xbf16>
    %slice3A_215 = vector.extract_strided_slice %convert_element_type3A_13 {offsets = [384, 0], sizes = [128, 1024], strides = [1, 1]} : vector<2048x1024xbf16> to vector<128x1024xbf16>
    %dot_general3A_216 = arith.constant dense<0.000000e+00> : vector<128x1024xf32>
    %dot_general3A_217 = tpu.matmul %convert_element_type3A_207, %slice3A_214, %dot_general3A_216 {dimension_numbers = #tpu.dot_dimension_numbers<[1], [0], [0], [1], [0, 0, 1, 1], [], []>, transpose_lhs_hint = false} : vector<128x128xbf16>, vector<128x1024xbf16>, vector<128x1024xf32> -> vector<128x1024xf32>
    %convert_element_type3A_218 = arith.truncf %dot_general3A_217 : vector<128x1024xf32> to vector<128x1024xbf16>
    %get3A_219 = arith.constant 0 : index
    %get3A_220 = arith.constant 0 : index
    %get3A_221 = vector.load %arg6[%get3A_219, %get3A_220] : memref<1x1024xbf16, #tpu.memory_space<vmem>>, vector<1x1024xbf16>
    %add3A_222 = vector.broadcast %get3A_221 : vector<1x1024xbf16> to vector<128x1024xbf16>
    %add3A_223 = arith.addf %convert_element_type3A_218, %add3A_222 : vector<128x1024xbf16>
    %max3A_224 = arith.constant 0.000000e+00 : bf16
    %max3A_225 = vector.broadcast %max3A_224 : bf16 to vector<128x1024xbf16>
    %max3A_226 = arith.maximumf %add3A_223, %max3A_225 : vector<128x1024xbf16>
    %dot_general3A_227 = arith.constant dense<0.000000e+00> : vector<128x1024xf32>
    %dot_general3A_228 = tpu.matmul %convert_element_type3A_213, %slice3A_215, %dot_general3A_227 {dimension_numbers = #tpu.dot_dimension_numbers<[1], [0], [0], [1], [0, 0, 1, 1], [], []>, transpose_lhs_hint = false} : vector<128x128xbf16>, vector<128x1024xbf16>, vector<128x1024xf32> -> vector<128x1024xf32>
    %convert_element_type3A_229 = arith.truncf %dot_general3A_228 : vector<128x1024xf32> to vector<128x1024xbf16>
    %get3A_230 = arith.constant 0 : index
    %get3A_231 = arith.constant 0 : index
    %get3A_232 = vector.load %arg7[%get3A_230, %get3A_231] : memref<1x1024xbf16, #tpu.memory_space<vmem>>, vector<1x1024xbf16>
    %add3A_233 = vector.broadcast %get3A_232 : vector<1x1024xbf16> to vector<128x1024xbf16>
    %add3A_234 = arith.addf %convert_element_type3A_229, %add3A_233 : vector<128x1024xbf16>
    %max3A_235 = arith.constant 0.000000e+00 : bf16
    %max3A_236 = vector.broadcast %max3A_235 : bf16 to vector<128x1024xbf16>
    %max3A_237 = arith.maximumf %add3A_234, %max3A_236 : vector<128x1024xbf16>
    %get3A_238 = arith.constant 0 : index
    %get3A_239 = arith.constant 0 : index
    %get3A_240 = vector.load %arg8[%get3A_238, %get3A_239] : memref<1024x3xbf16, #tpu.memory_space<vmem>>, vector<1024x3xbf16>
    %dot_general3A_241 = arith.constant dense<0.000000e+00> : vector<128x3xf32>
    %dot_general3A_242 = tpu.matmul %max3A_226, %get3A_240, %dot_general3A_241 {dimension_numbers = #tpu.dot_dimension_numbers<[1], [0], [0], [1], [0, 0, 1, 1], [], []>, transpose_lhs_hint = false} : vector<128x1024xbf16>, vector<1024x3xbf16>, vector<128x3xf32> -> vector<128x3xf32>
    %get3A_243 = arith.constant 0 : index
    %get3A_244 = arith.constant 0 : index
    %get3A_245 = vector.load %arg9[%get3A_243, %get3A_244] : memref<1024x3xbf16, #tpu.memory_space<vmem>>, vector<1024x3xbf16>
    %dot_general3A_246 = arith.constant dense<0.000000e+00> : vector<128x3xf32>
    %dot_general3A_247 = tpu.matmul %max3A_237, %get3A_245, %dot_general3A_246 {dimension_numbers = #tpu.dot_dimension_numbers<[1], [0], [0], [1], [0, 0, 1, 1], [], []>, transpose_lhs_hint = false} : vector<128x1024xbf16>, vector<1024x3xbf16>, vector<128x3xf32> -> vector<128x3xf32>
    %convert_element_type3A_248 = arith.truncf %dot_general3A_242 : vector<128x3xf32> to vector<128x3xbf16>
    %dot_general3A_249 = arith.constant dense<0.000000e+00> : vector<128x3xf32>
    %dot_general3A_250 = tpu.matmul %convert_element_type3A_207, %convert_element_type3A_248, %dot_general3A_249 {dimension_numbers = #tpu.dot_dimension_numbers<[1], [0], [0], [1], [0, 0, 1, 1], [], []>, transpose_lhs_hint = false} : vector<128x128xbf16>, vector<128x3xbf16>, vector<128x3xf32> -> vector<128x3xf32>
    %convert_element_type3A_251 = arith.truncf %dot_general3A_247 : vector<128x3xf32> to vector<128x3xbf16>
    %dot_general3A_252 = arith.constant dense<0.000000e+00> : vector<128x3xf32>
    %dot_general3A_253 = tpu.matmul %convert_element_type3A_213, %convert_element_type3A_251, %dot_general3A_252 {dimension_numbers = #tpu.dot_dimension_numbers<[1], [0], [0], [1], [0, 0, 1, 1], [], []>, transpose_lhs_hint = false} : vector<128x128xbf16>, vector<128x3xbf16>, vector<128x3xf32> -> vector<128x3xf32>
    %add3A_254 = arith.addf %dot_general3A_250, %dot_general3A_253 : vector<128x3xf32>
    %get3A_255 = arith.constant 0 : index
    %get3A_256 = arith.constant 0 : index
    %get3A_257 = vector.load %arg10[%get3A_255, %get3A_256] : memref<1x3xf32, #tpu.memory_space<vmem>>, vector<1x3xf32>
    %add3A_258 = vector.broadcast %get3A_257 : vector<1x3xf32> to vector<128x3xf32>
    %add3A_259 = arith.addf %add3A_254, %add3A_258 : vector<128x3xf32>
    %swap3A_260 = arith.constant 3 : index
    %swap3A_261 = arith.constant 0 : index
    %swap3A_262 = arith.constant 0 : index
    %swap3A_263 = vector.load %arg11[%swap3A_260, %swap3A_261, %swap3A_262] : memref<16x128x3xf32, #tpu.memory_space<vmem>>, vector<1x128x3xf32>
    %swap3A_264 = vector.shape_cast %swap3A_263 : vector<1x128x3xf32> to vector<128x3xf32>
    %swap3A_265 = vector.shape_cast %add3A_259 : vector<128x3xf32> to vector<1x128x3xf32>
    tpu.vector_store %arg11[%swap3A_260, %swap3A_261, %swap3A_262], %swap3A_265 {strides = array<i32>} : memref<16x128x3xf32, #tpu.memory_space<vmem>>, vector<1x128x3xf32>,
    %get3A_266 = arith.constant 4 : index
    %get3A_267 = arith.constant 0 : index
    %get3A_268 = arith.constant 0 : index
    %get3A_269 = vector.load %arg2[%get3A_266, %get3A_267, %get3A_268] : memref<16x128x128xf32, #tpu.memory_space<vmem>>, vector<1x128x128xf32>
    %get3A_270 = vector.shape_cast %get3A_269 : vector<1x128x128xf32> to vector<128x128xf32>
    %convert_element_type3A_271 = arith.truncf %get3A_270 : vector<128x128xf32> to vector<128x128xbf16>
    %get3A_272 = arith.constant 4 : index
    %get3A_273 = arith.constant 0 : index
    %get3A_274 = arith.constant 0 : index
    %get3A_275 = vector.load %arg3[%get3A_272, %get3A_273, %get3A_274] : memref<16x128x128xf32, #tpu.memory_space<vmem>>, vector<1x128x128xf32>
    %get3A_276 = vector.shape_cast %get3A_275 : vector<1x128x128xf32> to vector<128x128xf32>
    %convert_element_type3A_277 = arith.truncf %get3A_276 : vector<128x128xf32> to vector<128x128xbf16>
    %slice3A_278 = vector.extract_strided_slice %convert_element_type3A_7 {offsets = [512, 0], sizes = [128, 1024], strides = [1, 1]} : vector<2048x1024xbf16> to vector<128x1024xbf16>
    %slice3A_279 = vector.extract_strided_slice %convert_element_type3A_13 {offsets = [512, 0], sizes = [128, 1024], strides = [1, 1]} : vector<2048x1024xbf16> to vector<128x1024xbf16>
    %dot_general3A_280 = arith.constant dense<0.000000e+00> : vector<128x1024xf32>
    %dot_general3A_281 = tpu.matmul %convert_element_type3A_271, %slice3A_278, %dot_general3A_280 {dimension_numbers = #tpu.dot_dimension_numbers<[1], [0], [0], [1], [0, 0, 1, 1], [], []>, transpose_lhs_hint = false} : vector<128x128xbf16>, vector<128x1024xbf16>, vector<128x1024xf32> -> vector<128x1024xf32>
    %convert_element_type3A_282 = arith.truncf %dot_general3A_281 : vector<128x1024xf32> to vector<128x1024xbf16>
    %get3A_283 = arith.constant 0 : index
    %get3A_284 = arith.constant 0 : index
    %get3A_285 = vector.load %arg6[%get3A_283, %get3A_284] : memref<1x1024xbf16, #tpu.memory_space<vmem>>, vector<1x1024xbf16>
    %add3A_286 = vector.broadcast %get3A_285 : vector<1x1024xbf16> to vector<128x1024xbf16>
    %add3A_287 = arith.addf %convert_element_type3A_282, %add3A_286 : vector<128x1024xbf16>
    %max3A_288 = arith.constant 0.000000e+00 : bf16
    %max3A_289 = vector.broadcast %max3A_288 : bf16 to vector<128x1024xbf16>
    %max3A_290 = arith.maximumf %add3A_287, %max3A_289 : vector<128x1024xbf16>
    %dot_general3A_291 = arith.constant dense<0.000000e+00> : vector<128x1024xf32>
    %dot_general3A_292 = tpu.matmul %convert_element_type3A_277, %slice3A_279, %dot_general3A_291 {dimension_numbers = #tpu.dot_dimension_numbers<[1], [0], [0], [1], [0, 0, 1, 1], [], []>, transpose_lhs_hint = false} : vector<128x128xbf16>, vector<128x1024xbf16>, vector<128x1024xf32> -> vector<128x1024xf32>
    %convert_element_type3A_293 = arith.truncf %dot_general3A_292 : vector<128x1024xf32> to vector<128x1024xbf16>
    %get3A_294 = arith.constant 0 : index
    %get3A_295 = arith.constant 0 : index
    %get3A_296 = vector.load %arg7[%get3A_294, %get3A_295] : memref<1x1024xbf16, #tpu.memory_space<vmem>>, vector<1x1024xbf16>
    %add3A_297 = vector.broadcast %get3A_296 : vector<1x1024xbf16> to vector<128x1024xbf16>
    %add3A_298 = arith.addf %convert_element_type3A_293, %add3A_297 : vector<128x1024xbf16>
    %max3A_299 = arith.constant 0.000000e+00 : bf16
    %max3A_300 = vector.broadcast %max3A_299 : bf16 to vector<128x1024xbf16>
    %max3A_301 = arith.maximumf %add3A_298, %max3A_300 : vector<128x1024xbf16>
    %get3A_302 = arith.constant 0 : index
    %get3A_303 = arith.constant 0 : index
    %get3A_304 = vector.load %arg8[%get3A_302, %get3A_303] : memref<1024x3xbf16, #tpu.memory_space<vmem>>, vector<1024x3xbf16>
    %dot_general3A_305 = arith.constant dense<0.000000e+00> : vector<128x3xf32>
    %dot_general3A_306 = tpu.matmul %max3A_290, %get3A_304, %dot_general3A_305 {dimension_numbers = #tpu.dot_dimension_numbers<[1], [0], [0], [1], [0, 0, 1, 1], [], []>, transpose_lhs_hint = false} : vector<128x1024xbf16>, vector<1024x3xbf16>, vector<128x3xf32> -> vector<128x3xf32>
    %get3A_307 = arith.constant 0 : index
    %get3A_308 = arith.constant 0 : index
    %get3A_309 = vector.load %arg9[%get3A_307, %get3A_308] : memref<1024x3xbf16, #tpu.memory_space<vmem>>, vector<1024x3xbf16>
    %dot_general3A_310 = arith.constant dense<0.000000e+00> : vector<128x3xf32>
    %dot_general3A_311 = tpu.matmul %max3A_301, %get3A_309, %dot_general3A_310 {dimension_numbers = #tpu.dot_dimension_numbers<[1], [0], [0], [1], [0, 0, 1, 1], [], []>, transpose_lhs_hint = false} : vector<128x1024xbf16>, vector<1024x3xbf16>, vector<128x3xf32> -> vector<128x3xf32>
    %convert_element_type3A_312 = arith.truncf %dot_general3A_306 : vector<128x3xf32> to vector<128x3xbf16>
    %dot_general3A_313 = arith.constant dense<0.000000e+00> : vector<128x3xf32>
    %dot_general3A_314 = tpu.matmul %convert_element_type3A_271, %convert_element_type3A_312, %dot_general3A_313 {dimension_numbers = #tpu.dot_dimension_numbers<[1], [0], [0], [1], [0, 0, 1, 1], [], []>, transpose_lhs_hint = false} : vector<128x128xbf16>, vector<128x3xbf16>, vector<128x3xf32> -> vector<128x3xf32>
    %convert_element_type3A_315 = arith.truncf %dot_general3A_311 : vector<128x3xf32> to vector<128x3xbf16>
    %dot_general3A_316 = arith.constant dense<0.000000e+00> : vector<128x3xf32>
    %dot_general3A_317 = tpu.matmul %convert_element_type3A_277, %convert_element_type3A_315, %dot_general3A_316 {dimension_numbers = #tpu.dot_dimension_numbers<[1], [0], [0], [1], [0, 0, 1, 1], [], []>, transpose_lhs_hint = false} : vector<128x128xbf16>, vector<128x3xbf16>, vector<128x3xf32> -> vector<128x3xf32>
    %add3A_318 = arith.addf %dot_general3A_314, %dot_general3A_317 : vector<128x3xf32>
    %get3A_319 = arith.constant 0 : index
    %get3A_320 = arith.constant 0 : index
    %get3A_321 = vector.load %arg10[%get3A_319, %get3A_320] : memref<1x3xf32, #tpu.memory_space<vmem>>, vector<1x3xf32>
    %add3A_322 = vector.broadcast %get3A_321 : vector<1x3xf32> to vector<128x3xf32>
    %add3A_323 = arith.addf %add3A_318, %add3A_322 : vector<128x3xf32>
    %swap3A_324 = arith.constant 4 : index
    %swap3A_325 = arith.constant 0 : index
    %swap3A_326 = arith.constant 0 : index
    %swap3A_327 = vector.load %arg11[%swap3A_324, %swap3A_325, %swap3A_326] : memref<16x128x3xf32, #tpu.memory_space<vmem>>, vector<1x128x3xf32>
    %swap3A_328 = vector.shape_cast %swap3A_327 : vector<1x128x3xf32> to vector<128x3xf32>
    %swap3A_329 = vector.shape_cast %add3A_323 : vector<128x3xf32> to vector<1x128x3xf32>
    tpu.vector_store %arg11[%swap3A_324, %swap3A_325, %swap3A_326], %swap3A_329 {strides = array<i32>} : memref<16x128x3xf32, #tpu.memory_space<vmem>>, vector<1x128x3xf32>,
    %get3A_330 = arith.constant 5 : index
    %get3A_331 = arith.constant 0 : index
    %get3A_332 = arith.constant 0 : index
    %get3A_333 = vector.load %arg2[%get3A_330, %get3A_331, %get3A_332] : memref<16x128x128xf32, #tpu.memory_space<vmem>>, vector<1x128x128xf32>
    %get3A_334 = vector.shape_cast %get3A_333 : vector<1x128x128xf32> to vector<128x128xf32>
    %convert_element_type3A_335 = arith.truncf %get3A_334 : vector<128x128xf32> to vector<128x128xbf16>
    %get3A_336 = arith.constant 5 : index
    %get3A_337 = arith.constant 0 : index
    %get3A_338 = arith.constant 0 : index
    %get3A_339 = vector.load %arg3[%get3A_336, %get3A_337, %get3A_338] : memref<16x128x128xf32, #tpu.memory_space<vmem>>, vector<1x128x128xf32>
    %get3A_340 = vector.shape_cast %get3A_339 : vector<1x128x128xf32> to vector<128x128xf32>
    %convert_element_type3A_341 = arith.truncf %get3A_340 : vector<128x128xf32> to vector<128x128xbf16>
    %slice3A_342 = vector.extract_strided_slice %convert_element_type3A_7 {offsets = [640, 0], sizes = [128, 1024], strides = [1, 1]} : vector<2048x1024xbf16> to vector<128x1024xbf16>
    %slice3A_343 = vector.extract_strided_slice %convert_element_type3A_13 {offsets = [640, 0], sizes = [128, 1024], strides = [1, 1]} : vector<2048x1024xbf16> to vector<128x1024xbf16>
    %dot_general3A_344 = arith.constant dense<0.000000e+00> : vector<128x1024xf32>
    %dot_general3A_345 = tpu.matmul %convert_element_type3A_335, %slice3A_342, %dot_general3A_344 {dimension_numbers = #tpu.dot_dimension_numbers<[1], [0], [0], [1], [0, 0, 1, 1], [], []>, transpose_lhs_hint = false} : vector<128x128xbf16>, vector<128x1024xbf16>, vector<128x1024xf32> -> vector<128x1024xf32>
    %convert_element_type3A_346 = arith.truncf %dot_general3A_345 : vector<128x1024xf32> to vector<128x1024xbf16>
    %get3A_347 = arith.constant 0 : index
    %get3A_348 = arith.constant 0 : index
    %get3A_349 = vector.load %arg6[%get3A_347, %get3A_348] : memref<1x1024xbf16, #tpu.memory_space<vmem>>, vector<1x1024xbf16>
    %add3A_350 = vector.broadcast %get3A_349 : vector<1x1024xbf16> to vector<128x1024xbf16>
    %add3A_351 = arith.addf %convert_element_type3A_346, %add3A_350 : vector<128x1024xbf16>
    %max3A_352 = arith.constant 0.000000e+00 : bf16
    %max3A_353 = vector.broadcast %max3A_352 : bf16 to vector<128x1024xbf16>
    %max3A_354 = arith.maximumf %add3A_351, %max3A_353 : vector<128x1024xbf16>
    %dot_general3A_355 = arith.constant dense<0.000000e+00> : vector<128x1024xf32>
    %dot_general3A_356 = tpu.matmul %convert_element_type3A_341, %slice3A_343, %dot_general3A_355 {dimension_numbers = #tpu.dot_dimension_numbers<[1], [0], [0], [1], [0, 0, 1, 1], [], []>, transpose_lhs_hint = false} : vector<128x128xbf16>, vector<128x1024xbf16>, vector<128x1024xf32> -> vector<128x1024xf32>
    %convert_element_type3A_357 = arith.truncf %dot_general3A_356 : vector<128x1024xf32> to vector<128x1024xbf16>
    %get3A_358 = arith.constant 0 : index
    %get3A_359 = arith.constant 0 : index
    %get3A_360 = vector.load %arg7[%get3A_358, %get3A_359] : memref<1x1024xbf16, #tpu.memory_space<vmem>>, vector<1x1024xbf16>
    %add3A_361 = vector.broadcast %get3A_360 : vector<1x1024xbf16> to vector<128x1024xbf16>
    %add3A_362 = arith.addf %convert_element_type3A_357, %add3A_361 : vector<128x1024xbf16>
    %max3A_363 = arith.constant 0.000000e+00 : bf16
    %max3A_364 = vector.broadcast %max3A_363 : bf16 to vector<128x1024xbf16>
    %max3A_365 = arith.maximumf %add3A_362, %max3A_364 : vector<128x1024xbf16>
    %get3A_366 = arith.constant 0 : index
    %get3A_367 = arith.constant 0 : index
    %get3A_368 = vector.load %arg8[%get3A_366, %get3A_367] : memref<1024x3xbf16, #tpu.memory_space<vmem>>, vector<1024x3xbf16>
    %dot_general3A_369 = arith.constant dense<0.000000e+00> : vector<128x3xf32>
    %dot_general3A_370 = tpu.matmul %max3A_354, %get3A_368, %dot_general3A_369 {dimension_numbers = #tpu.dot_dimension_numbers<[1], [0], [0], [1], [0, 0, 1, 1], [], []>, transpose_lhs_hint = false} : vector<128x1024xbf16>, vector<1024x3xbf16>, vector<128x3xf32> -> vector<128x3xf32>
    %get3A_371 = arith.constant 0 : index
    %get3A_372 = arith.constant 0 : index
    %get3A_373 = vector.load %arg9[%get3A_371, %get3A_372] : memref<1024x3xbf16, #tpu.memory_space<vmem>>, vector<1024x3xbf16>
    %dot_general3A_374 = arith.constant dense<0.000000e+00> : vector<128x3xf32>
    %dot_general3A_375 = tpu.matmul %max3A_365, %get3A_373, %dot_general3A_374 {dimension_numbers = #tpu.dot_dimension_numbers<[1], [0], [0], [1], [0, 0, 1, 1], [], []>, transpose_lhs_hint = false} : vector<128x1024xbf16>, vector<1024x3xbf16>, vector<128x3xf32> -> vector<128x3xf32>
    %convert_element_type3A_376 = arith.truncf %dot_general3A_370 : vector<128x3xf32> to vector<128x3xbf16>
    %dot_general3A_377 = arith.constant dense<0.000000e+00> : vector<128x3xf32>
    %dot_general3A_378 = tpu.matmul %convert_element_type3A_335, %convert_element_type3A_376, %dot_general3A_377 {dimension_numbers = #tpu.dot_dimension_numbers<[1], [0], [0], [1], [0, 0, 1, 1], [], []>, transpose_lhs_hint = false} : vector<128x128xbf16>, vector<128x3xbf16>, vector<128x3xf32> -> vector<128x3xf32>
    %convert_element_type3A_379 = arith.truncf %dot_general3A_375 : vector<128x3xf32> to vector<128x3xbf16>
    %dot_general3A_380 = arith.constant dense<0.000000e+00> : vector<128x3xf32>
    %dot_general3A_381 = tpu.matmul %convert_element_type3A_341, %convert_element_type3A_379, %dot_general3A_380 {dimension_numbers = #tpu.dot_dimension_numbers<[1], [0], [0], [1], [0, 0, 1, 1], [], []>, transpose_lhs_hint = false} : vector<128x128xbf16>, vector<128x3xbf16>, vector<128x3xf32> -> vector<128x3xf32>
    %add3A_382 = arith.addf %dot_general3A_378, %dot_general3A_381 : vector<128x3xf32>
    %get3A_383 = arith.constant 0 : index
    %get3A_384 = arith.constant 0 : index
    %get3A_385 = vector.load %arg10[%get3A_383, %get3A_384] : memref<1x3xf32, #tpu.memory_space<vmem>>, vector<1x3xf32>
    %add3A_386 = vector.broadcast %get3A_385 : vector<1x3xf32> to vector<128x3xf32>
    %add3A_387 = arith.addf %add3A_382, %add3A_386 : vector<128x3xf32>
    %swap3A_388 = arith.constant 5 : index
    %swap3A_389 = arith.constant 0 : index
    %swap3A_390 = arith.constant 0 : index
    %swap3A_391 = vector.load %arg11[%swap3A_388, %swap3A_389, %swap3A_390] : memref<16x128x3xf32, #tpu.memory_space<vmem>>, vector<1x128x3xf32>
    %swap3A_392 = vector.shape_cast %swap3A_391 : vector<1x128x3xf32> to vector<128x3xf32>
    %swap3A_393 = vector.shape_cast %add3A_387 : vector<128x3xf32> to vector<1x128x3xf32>
    tpu.vector_store %arg11[%swap3A_388, %swap3A_389, %swap3A_390], %swap3A_393 {strides = array<i32>} : memref<16x128x3xf32, #tpu.memory_space<vmem>>, vector<1x128x3xf32>,
    %get3A_394 = arith.constant 6 : index
    %get3A_395 = arith.constant 0 : index
    %get3A_396 = arith.constant 0 : index
    %get3A_397 = vector.load %arg2[%get3A_394, %get3A_395, %get3A_396] : memref<16x128x128xf32, #tpu.memory_space<vmem>>, vector<1x128x128xf32>
    %get3A_398 = vector.shape_cast %get3A_397 : vector<1x128x128xf32> to vector<128x128xf32>
    %convert_element_type3A_399 = arith.truncf %get3A_398 : vector<128x128xf32> to vector<128x128xbf16>
    %get3A_400 = arith.constant 6 : index
    %get3A_401 = arith.constant 0 : index
    %get3A_402 = arith.constant 0 : index
    %get3A_403 = vector.load %arg3[%get3A_400, %get3A_401, %get3A_402] : memref<16x128x128xf32, #tpu.memory_space<vmem>>, vector<1x128x128xf32>
    %get3A_404 = vector.shape_cast %get3A_403 : vector<1x128x128xf32> to vector<128x128xf32>
    %convert_element_type3A_405 = arith.truncf %get3A_404 : vector<128x128xf32> to vector<128x128xbf16>
    %slice3A_406 = vector.extract_strided_slice %convert_element_type3A_7 {offsets = [768, 0], sizes = [128, 1024], strides = [1, 1]} : vector<2048x1024xbf16> to vector<128x1024xbf16>
    %slice3A_407 = vector.extract_strided_slice %convert_element_type3A_13 {offsets = [768, 0], sizes = [128, 1024], strides = [1, 1]} : vector<2048x1024xbf16> to vector<128x1024xbf16>
    %dot_general3A_408 = arith.constant dense<0.000000e+00> : vector<128x1024xf32>
    %dot_general3A_409 = tpu.matmul %convert_element_type3A_399, %slice3A_406, %dot_general3A_408 {dimension_numbers = #tpu.dot_dimension_numbers<[1], [0], [0], [1], [0, 0, 1, 1], [], []>, transpose_lhs_hint = false} : vector<128x128xbf16>, vector<128x1024xbf16>, vector<128x1024xf32> -> vector<128x1024xf32>
    %convert_element_type3A_410 = arith.truncf %dot_general3A_409 : vector<128x1024xf32> to vector<128x1024xbf16>
    %get3A_411 = arith.constant 0 : index
    %get3A_412 = arith.constant 0 : index
    %get3A_413 = vector.load %arg6[%get3A_411, %get3A_412] : memref<1x1024xbf16, #tpu.memory_space<vmem>>, vector<1x1024xbf16>
    %add3A_414 = vector.broadcast %get3A_413 : vector<1x1024xbf16> to vector<128x1024xbf16>
    %add3A_415 = arith.addf %convert_element_type3A_410, %add3A_414 : vector<128x1024xbf16>
    %max3A_416 = arith.constant 0.000000e+00 : bf16
    %max3A_417 = vector.broadcast %max3A_416 : bf16 to vector<128x1024xbf16>
    %max3A_418 = arith.maximumf %add3A_415, %max3A_417 : vector<128x1024xbf16>
    %dot_general3A_419 = arith.constant dense<0.000000e+00> : vector<128x1024xf32>
    %dot_general3A_420 = tpu.matmul %convert_element_type3A_405, %slice3A_407, %dot_general3A_419 {dimension_numbers = #tpu.dot_dimension_numbers<[1], [0], [0], [1], [0, 0, 1, 1], [], []>, transpose_lhs_hint = false} : vector<128x128xbf16>, vector<128x1024xbf16>, vector<128x1024xf32> -> vector<128x1024xf32>
    %convert_element_type3A_421 = arith.truncf %dot_general3A_420 : vector<128x1024xf32> to vector<128x1024xbf16>
    %get3A_422 = arith.constant 0 : index
    %get3A_423 = arith.constant 0 : index
    %get3A_424 = vector.load %arg7[%get3A_422, %get3A_423] : memref<1x1024xbf16, #tpu.memory_space<vmem>>, vector<1x1024xbf16>
    %add3A_425 = vector.broadcast %get3A_424 : vector<1x1024xbf16> to vector<128x1024xbf16>
    %add3A_426 = arith.addf %convert_element_type3A_421, %add3A_425 : vector<128x1024xbf16>
    %max3A_427 = arith.constant 0.000000e+00 : bf16
    %max3A_428 = vector.broadcast %max3A_427 : bf16 to vector<128x1024xbf16>
    %max3A_429 = arith.maximumf %add3A_426, %max3A_428 : vector<128x1024xbf16>
    %get3A_430 = arith.constant 0 : index
    %get3A_431 = arith.constant 0 : index
    %get3A_432 = vector.load %arg8[%get3A_430, %get3A_431] : memref<1024x3xbf16, #tpu.memory_space<vmem>>, vector<1024x3xbf16>
    %dot_general3A_433 = arith.constant dense<0.000000e+00> : vector<128x3xf32>
    %dot_general3A_434 = tpu.matmul %max3A_418, %get3A_432, %dot_general3A_433 {dimension_numbers = #tpu.dot_dimension_numbers<[1], [0], [0], [1], [0, 0, 1, 1], [], []>, transpose_lhs_hint = false} : vector<128x1024xbf16>, vector<1024x3xbf16>, vector<128x3xf32> -> vector<128x3xf32>
    %get3A_435 = arith.constant 0 : index
    %get3A_436 = arith.constant 0 : index
    %get3A_437 = vector.load %arg9[%get3A_435, %get3A_436] : memref<1024x3xbf16, #tpu.memory_space<vmem>>, vector<1024x3xbf16>
    %dot_general3A_438 = arith.constant dense<0.000000e+00> : vector<128x3xf32>
    %dot_general3A_439 = tpu.matmul %max3A_429, %get3A_437, %dot_general3A_438 {dimension_numbers = #tpu.dot_dimension_numbers<[1], [0], [0], [1], [0, 0, 1, 1], [], []>, transpose_lhs_hint = false} : vector<128x1024xbf16>, vector<1024x3xbf16>, vector<128x3xf32> -> vector<128x3xf32>
    %convert_element_type3A_440 = arith.truncf %dot_general3A_434 : vector<128x3xf32> to vector<128x3xbf16>
    %dot_general3A_441 = arith.constant dense<0.000000e+00> : vector<128x3xf32>
    %dot_general3A_442 = tpu.matmul %convert_element_type3A_399, %convert_element_type3A_440, %dot_general3A_441 {dimension_numbers = #tpu.dot_dimension_numbers<[1], [0], [0], [1], [0, 0, 1, 1], [], []>, transpose_lhs_hint = false} : vector<128x128xbf16>, vector<128x3xbf16>, vector<128x3xf32> -> vector<128x3xf32>
    %convert_element_type3A_443 = arith.truncf %dot_general3A_439 : vector<128x3xf32> to vector<128x3xbf16>
    %dot_general3A_444 = arith.constant dense<0.000000e+00> : vector<128x3xf32>
    %dot_general3A_445 = tpu.matmul %convert_element_type3A_405, %convert_element_type3A_443, %dot_general3A_444 {dimension_numbers = #tpu.dot_dimension_numbers<[1], [0], [0], [1], [0, 0, 1, 1], [], []>, transpose_lhs_hint = false} : vector<128x128xbf16>, vector<128x3xbf16>, vector<128x3xf32> -> vector<128x3xf32>
    %add3A_446 = arith.addf %dot_general3A_442, %dot_general3A_445 : vector<128x3xf32>
    %get3A_447 = arith.constant 0 : index
    %get3A_448 = arith.constant 0 : index
    %get3A_449 = vector.load %arg10[%get3A_447, %get3A_448] : memref<1x3xf32, #tpu.memory_space<vmem>>, vector<1x3xf32>
    %add3A_450 = vector.broadcast %get3A_449 : vector<1x3xf32> to vector<128x3xf32>
    %add3A_451 = arith.addf %add3A_446, %add3A_450 : vector<128x3xf32>
    %swap3A_452 = arith.constant 6 : index
    %swap3A_453 = arith.constant 0 : index
    %swap3A_454 = arith.constant 0 : index
    %swap3A_455 = vector.load %arg11[%swap3A_452, %swap3A_453, %swap3A_454] : memref<16x128x3xf32, #tpu.memory_space<vmem>>, vector<1x128x3xf32>
    %swap3A_456 = vector.shape_cast %swap3A_455 : vector<1x128x3xf32> to vector<128x3xf32>
    %swap3A_457 = vector.shape_cast %add3A_451 : vector<128x3xf32> to vector<1x128x3xf32>
    tpu.vector_store %arg11[%swap3A_452, %swap3A_453, %swap3A_454], %swap3A_457 {strides = array<i32>} : memref<16x128x3xf32, #tpu.memory_space<vmem>>, vector<1x128x3xf32>,
    %get3A_458 = arith.constant 7 : index
    %get3A_459 = arith.constant 0 : index
    %get3A_460 = arith.constant 0 : index
    %get3A_461 = vector.load %arg2[%get3A_458, %get3A_459, %get3A_460] : memref<16x128x128xf32, #tpu.memory_space<vmem>>, vector<1x128x128xf32>
    %get3A_462 = vector.shape_cast %get3A_461 : vector<1x128x128xf32> to vector<128x128xf32>
    %convert_element_type3A_463 = arith.truncf %get3A_462 : vector<128x128xf32> to vector<128x128xbf16>
    %get3A_464 = arith.constant 7 : index
    %get3A_465 = arith.constant 0 : index
    %get3A_466 = arith.constant 0 : index
    %get3A_467 = vector.load %arg3[%get3A_464, %get3A_465, %get3A_466] : memref<16x128x128xf32, #tpu.memory_space<vmem>>, vector<1x128x128xf32>
    %get3A_468 = vector.shape_cast %get3A_467 : vector<1x128x128xf32> to vector<128x128xf32>
    %convert_element_type3A_469 = arith.truncf %get3A_468 : vector<128x128xf32> to vector<128x128xbf16>
    %slice3A_470 = vector.extract_strided_slice %convert_element_type3A_7 {offsets = [896, 0], sizes = [128, 1024], strides = [1, 1]} : vector<2048x1024xbf16> to vector<128x1024xbf16>
    %slice3A_471 = vector.extract_strided_slice %convert_element_type3A_13 {offsets = [896, 0], sizes = [128, 1024], strides = [1, 1]} : vector<2048x1024xbf16> to vector<128x1024xbf16>
    %dot_general3A_472 = arith.constant dense<0.000000e+00> : vector<128x1024xf32>
    %dot_general3A_473 = tpu.matmul %convert_element_type3A_463, %slice3A_470, %dot_general3A_472 {dimension_numbers = #tpu.dot_dimension_numbers<[1], [0], [0], [1], [0, 0, 1, 1], [], []>, transpose_lhs_hint = false} : vector<128x128xbf16>, vector<128x1024xbf16>, vector<128x1024xf32> -> vector<128x1024xf32>
    %convert_element_type3A_474 = arith.truncf %dot_general3A_473 : vector<128x1024xf32> to vector<128x1024xbf16>
    %get3A_475 = arith.constant 0 : index
    %get3A_476 = arith.constant 0 : index
    %get3A_477 = vector.load %arg6[%get3A_475, %get3A_476] : memref<1x1024xbf16, #tpu.memory_space<vmem>>, vector<1x1024xbf16>
    %add3A_478 = vector.broadcast %get3A_477 : vector<1x1024xbf16> to vector<128x1024xbf16>
    %add3A_479 = arith.addf %convert_element_type3A_474, %add3A_478 : vector<128x1024xbf16>
    %max3A_480 = arith.constant 0.000000e+00 : bf16
    %max3A_481 = vector.broadcast %max3A_480 : bf16 to vector<128x1024xbf16>
    %max3A_482 = arith.maximumf %add3A_479, %max3A_481 : vector<128x1024xbf16>
    %dot_general3A_483 = arith.constant dense<0.000000e+00> : vector<128x1024xf32>
    %dot_general3A_484 = tpu.matmul %convert_element_type3A_469, %slice3A_471, %dot_general3A_483 {dimension_numbers = #tpu.dot_dimension_numbers<[1], [0], [0], [1], [0, 0, 1, 1], [], []>, transpose_lhs_hint = false} : vector<128x128xbf16>, vector<128x1024xbf16>, vector<128x1024xf32> -> vector<128x1024xf32>
    %convert_element_type3A_485 = arith.truncf %dot_general3A_484 : vector<128x1024xf32> to vector<128x1024xbf16>
    %get3A_486 = arith.constant 0 : index
    %get3A_487 = arith.constant 0 : index
    %get3A_488 = vector.load %arg7[%get3A_486, %get3A_487] : memref<1x1024xbf16, #tpu.memory_space<vmem>>, vector<1x1024xbf16>
    %add3A_489 = vector.broadcast %get3A_488 : vector<1x1024xbf16> to vector<128x1024xbf16>
    %add3A_490 = arith.addf %convert_element_type3A_485, %add3A_489 : vector<128x1024xbf16>
    %max3A_491 = arith.constant 0.000000e+00 : bf16
    %max3A_492 = vector.broadcast %max3A_491 : bf16 to vector<128x1024xbf16>
    %max3A_493 = arith.maximumf %add3A_490, %max3A_492 : vector<128x1024xbf16>
    %get3A_494 = arith.constant 0 : index
    %get3A_495 = arith.constant 0 : index
    %get3A_496 = vector.load %arg8[%get3A_494, %get3A_495] : memref<1024x3xbf16, #tpu.memory_space<vmem>>, vector<1024x3xbf16>
    %dot_general3A_497 = arith.constant dense<0.000000e+00> : vector<128x3xf32>
    %dot_general3A_498 = tpu.matmul %max3A_482, %get3A_496, %dot_general3A_497 {dimension_numbers = #tpu.dot_dimension_numbers<[1], [0], [0], [1], [0, 0, 1, 1], [], []>, transpose_lhs_hint = false} : vector<128x1024xbf16>, vector<1024x3xbf16>, vector<128x3xf32> -> vector<128x3xf32>
    %get3A_499 = arith.constant 0 : index
    %get3A_500 = arith.constant 0 : index
    %get3A_501 = vector.load %arg9[%get3A_499, %get3A_500] : memref<1024x3xbf16, #tpu.memory_space<vmem>>, vector<1024x3xbf16>
    %dot_general3A_502 = arith.constant dense<0.000000e+00> : vector<128x3xf32>
    %dot_general3A_503 = tpu.matmul %max3A_493, %get3A_501, %dot_general3A_502 {dimension_numbers = #tpu.dot_dimension_numbers<[1], [0], [0], [1], [0, 0, 1, 1], [], []>, transpose_lhs_hint = false} : vector<128x1024xbf16>, vector<1024x3xbf16>, vector<128x3xf32> -> vector<128x3xf32>
    %convert_element_type3A_504 = arith.truncf %dot_general3A_498 : vector<128x3xf32> to vector<128x3xbf16>
    %dot_general3A_505 = arith.constant dense<0.000000e+00> : vector<128x3xf32>
    %dot_general3A_506 = tpu.matmul %convert_element_type3A_463, %convert_element_type3A_504, %dot_general3A_505 {dimension_numbers = #tpu.dot_dimension_numbers<[1], [0], [0], [1], [0, 0, 1, 1], [], []>, transpose_lhs_hint = false} : vector<128x128xbf16>, vector<128x3xbf16>, vector<128x3xf32> -> vector<128x3xf32>
    %convert_element_type3A_507 = arith.truncf %dot_general3A_503 : vector<128x3xf32> to vector<128x3xbf16>
    %dot_general3A_508 = arith.constant dense<0.000000e+00> : vector<128x3xf32>
    %dot_general3A_509 = tpu.matmul %convert_element_type3A_469, %convert_element_type3A_507, %dot_general3A_508 {dimension_numbers = #tpu.dot_dimension_numbers<[1], [0], [0], [1], [0, 0, 1, 1], [], []>, transpose_lhs_hint = false} : vector<128x128xbf16>, vector<128x3xbf16>, vector<128x3xf32> -> vector<128x3xf32>
    %add3A_510 = arith.addf %dot_general3A_506, %dot_general3A_509 : vector<128x3xf32>
    %get3A_511 = arith.constant 0 : index
    %get3A_512 = arith.constant 0 : index
    %get3A_513 = vector.load %arg10[%get3A_511, %get3A_512] : memref<1x3xf32, #tpu.memory_space<vmem>>, vector<1x3xf32>
    %add3A_514 = vector.broadcast %get3A_513 : vector<1x3xf32> to vector<128x3xf32>
    %add3A_515 = arith.addf %add3A_510, %add3A_514 : vector<128x3xf32>
    %swap3A_516 = arith.constant 7 : index
    %swap3A_517 = arith.constant 0 : index
    %swap3A_518 = arith.constant 0 : index
    %swap3A_519 = vector.load %arg11[%swap3A_516, %swap3A_517, %swap3A_518] : memref<16x128x3xf32, #tpu.memory_space<vmem>>, vector<1x128x3xf32>
    %swap3A_520 = vector.shape_cast %swap3A_519 : vector<1x128x3xf32> to vector<128x3xf32>
    %swap3A_521 = vector.shape_cast %add3A_515 : vector<128x3xf32> to vector<1x128x3xf32>
    tpu.vector_store %arg11[%swap3A_516, %swap3A_517, %swap3A_518], %swap3A_521 {strides = array<i32>} : memref<16x128x3xf32, #tpu.memory_space<vmem>>, vector<1x128x3xf32>,
    %get3A_522 = arith.constant 8 : index
    %get3A_523 = arith.constant 0 : index
    %get3A_524 = arith.constant 0 : index
    %get3A_525 = vector.load %arg2[%get3A_522, %get3A_523, %get3A_524] : memref<16x128x128xf32, #tpu.memory_space<vmem>>, vector<1x128x128xf32>
    %get3A_526 = vector.shape_cast %get3A_525 : vector<1x128x128xf32> to vector<128x128xf32>
    %convert_element_type3A_527 = arith.truncf %get3A_526 : vector<128x128xf32> to vector<128x128xbf16>
    %get3A_528 = arith.constant 8 : index
    %get3A_529 = arith.constant 0 : index
    %get3A_530 = arith.constant 0 : index
    %get3A_531 = vector.load %arg3[%get3A_528, %get3A_529, %get3A_530] : memref<16x128x128xf32, #tpu.memory_space<vmem>>, vector<1x128x128xf32>
    %get3A_532 = vector.shape_cast %get3A_531 : vector<1x128x128xf32> to vector<128x128xf32>
    %convert_element_type3A_533 = arith.truncf %get3A_532 : vector<128x128xf32> to vector<128x128xbf16>
    %slice3A_534 = vector.extract_strided_slice %convert_element_type3A_7 {offsets = [1024, 0], sizes = [128, 1024], strides = [1, 1]} : vector<2048x1024xbf16> to vector<128x1024xbf16>
    %slice3A_535 = vector.extract_strided_slice %convert_element_type3A_13 {offsets = [1024, 0], sizes = [128, 1024], strides = [1, 1]} : vector<2048x1024xbf16> to vector<128x1024xbf16>
    %dot_general3A_536 = arith.constant dense<0.000000e+00> : vector<128x1024xf32>
    %dot_general3A_537 = tpu.matmul %convert_element_type3A_527, %slice3A_534, %dot_general3A_536 {dimension_numbers = #tpu.dot_dimension_numbers<[1], [0], [0], [1], [0, 0, 1, 1], [], []>, transpose_lhs_hint = false} : vector<128x128xbf16>, vector<128x1024xbf16>, vector<128x1024xf32> -> vector<128x1024xf32>
    %convert_element_type3A_538 = arith.truncf %dot_general3A_537 : vector<128x1024xf32> to vector<128x1024xbf16>
    %get3A_539 = arith.constant 0 : index
    %get3A_540 = arith.constant 0 : index
    %get3A_541 = vector.load %arg6[%get3A_539, %get3A_540] : memref<1x1024xbf16, #tpu.memory_space<vmem>>, vector<1x1024xbf16>
    %add3A_542 = vector.broadcast %get3A_541 : vector<1x1024xbf16> to vector<128x1024xbf16>
    %add3A_543 = arith.addf %convert_element_type3A_538, %add3A_542 : vector<128x1024xbf16>
    %max3A_544 = arith.constant 0.000000e+00 : bf16
    %max3A_545 = vector.broadcast %max3A_544 : bf16 to vector<128x1024xbf16>
    %max3A_546 = arith.maximumf %add3A_543, %max3A_545 : vector<128x1024xbf16>
    %dot_general3A_547 = arith.constant dense<0.000000e+00> : vector<128x1024xf32>
    %dot_general3A_548 = tpu.matmul %convert_element_type3A_533, %slice3A_535, %dot_general3A_547 {dimension_numbers = #tpu.dot_dimension_numbers<[1], [0], [0], [1], [0, 0, 1, 1], [], []>, transpose_lhs_hint = false} : vector<128x128xbf16>, vector<128x1024xbf16>, vector<128x1024xf32> -> vector<128x1024xf32>
    %convert_element_type3A_549 = arith.truncf %dot_general3A_548 : vector<128x1024xf32> to vector<128x1024xbf16>
    %get3A_550 = arith.constant 0 : index
    %get3A_551 = arith.constant 0 : index
    %get3A_552 = vector.load %arg7[%get3A_550, %get3A_551] : memref<1x1024xbf16, #tpu.memory_space<vmem>>, vector<1x1024xbf16>
    %add3A_553 = vector.broadcast %get3A_552 : vector<1x1024xbf16> to vector<128x1024xbf16>
    %add3A_554 = arith.addf %convert_element_type3A_549, %add3A_553 : vector<128x1024xbf16>
    %max3A_555 = arith.constant 0.000000e+00 : bf16
    %max3A_556 = vector.broadcast %max3A_555 : bf16 to vector<128x1024xbf16>
    %max3A_557 = arith.maximumf %add3A_554, %max3A_556 : vector<128x1024xbf16>
    %get3A_558 = arith.constant 0 : index
    %get3A_559 = arith.constant 0 : index
    %get3A_560 = vector.load %arg8[%get3A_558, %get3A_559] : memref<1024x3xbf16, #tpu.memory_space<vmem>>, vector<1024x3xbf16>
    %dot_general3A_561 = arith.constant dense<0.000000e+00> : vector<128x3xf32>
    %dot_general3A_562 = tpu.matmul %max3A_546, %get3A_560, %dot_general3A_561 {dimension_numbers = #tpu.dot_dimension_numbers<[1], [0], [0], [1], [0, 0, 1, 1], [], []>, transpose_lhs_hint = false} : vector<128x1024xbf16>, vector<1024x3xbf16>, vector<128x3xf32> -> vector<128x3xf32>
    %get3A_563 = arith.constant 0 : index
    %get3A_564 = arith.constant 0 : index
    %get3A_565 = vector.load %arg9[%get3A_563, %get3A_564] : memref<1024x3xbf16, #tpu.memory_space<vmem>>, vector<1024x3xbf16>
    %dot_general3A_566 = arith.constant dense<0.000000e+00> : vector<128x3xf32>
    %dot_general3A_567 = tpu.matmul %max3A_557, %get3A_565, %dot_general3A_566 {dimension_numbers = #tpu.dot_dimension_numbers<[1], [0], [0], [1], [0, 0, 1, 1], [], []>, transpose_lhs_hint = false} : vector<128x1024xbf16>, vector<1024x3xbf16>, vector<128x3xf32> -> vector<128x3xf32>
    %convert_element_type3A_568 = arith.truncf %dot_general3A_562 : vector<128x3xf32> to vector<128x3xbf16>
    %dot_general3A_569 = arith.constant dense<0.000000e+00> : vector<128x3xf32>
    %dot_general3A_570 = tpu.matmul %convert_element_type3A_527, %convert_element_type3A_568, %dot_general3A_569 {dimension_numbers = #tpu.dot_dimension_numbers<[1], [0], [0], [1], [0, 0, 1, 1], [], []>, transpose_lhs_hint = false} : vector<128x128xbf16>, vector<128x3xbf16>, vector<128x3xf32> -> vector<128x3xf32>
    %convert_element_type3A_571 = arith.truncf %dot_general3A_567 : vector<128x3xf32> to vector<128x3xbf16>
    %dot_general3A_572 = arith.constant dense<0.000000e+00> : vector<128x3xf32>
    %dot_general3A_573 = tpu.matmul %convert_element_type3A_533, %convert_element_type3A_571, %dot_general3A_572 {dimension_numbers = #tpu.dot_dimension_numbers<[1], [0], [0], [1], [0, 0, 1, 1], [], []>, transpose_lhs_hint = false} : vector<128x128xbf16>, vector<128x3xbf16>, vector<128x3xf32> -> vector<128x3xf32>
    %add3A_574 = arith.addf %dot_general3A_570, %dot_general3A_573 : vector<128x3xf32>
    %get3A_575 = arith.constant 0 : index
    %get3A_576 = arith.constant 0 : index
    %get3A_577 = vector.load %arg10[%get3A_575, %get3A_576] : memref<1x3xf32, #tpu.memory_space<vmem>>, vector<1x3xf32>
    %add3A_578 = vector.broadcast %get3A_577 : vector<1x3xf32> to vector<128x3xf32>
    %add3A_579 = arith.addf %add3A_574, %add3A_578 : vector<128x3xf32>
    %swap3A_580 = arith.constant 8 : index
    %swap3A_581 = arith.constant 0 : index
    %swap3A_582 = arith.constant 0 : index
    %swap3A_583 = vector.load %arg11[%swap3A_580, %swap3A_581, %swap3A_582] : memref<16x128x3xf32, #tpu.memory_space<vmem>>, vector<1x128x3xf32>
    %swap3A_584 = vector.shape_cast %swap3A_583 : vector<1x128x3xf32> to vector<128x3xf32>
    %swap3A_585 = vector.shape_cast %add3A_579 : vector<128x3xf32> to vector<1x128x3xf32>
    tpu.vector_store %arg11[%swap3A_580, %swap3A_581, %swap3A_582], %swap3A_585 {strides = array<i32>} : memref<16x128x3xf32, #tpu.memory_space<vmem>>, vector<1x128x3xf32>,
    %get3A_586 = arith.constant 9 : index
    %get3A_587 = arith.constant 0 : index
    %get3A_588 = arith.constant 0 : index
    %get3A_589 = vector.load %arg2[%get3A_586, %get3A_587, %get3A_588] : memref<16x128x128xf32, #tpu.memory_space<vmem>>, vector<1x128x128xf32>
    %get3A_590 = vector.shape_cast %get3A_589 : vector<1x128x128xf32> to vector<128x128xf32>
    %convert_element_type3A_591 = arith.truncf %get3A_590 : vector<128x128xf32> to vector<128x128xbf16>
    %get3A_592 = arith.constant 9 : index
    %get3A_593 = arith.constant 0 : index
    %get3A_594 = arith.constant 0 : index
    %get3A_595 = vector.load %arg3[%get3A_592, %get3A_593, %get3A_594] : memref<16x128x128xf32, #tpu.memory_space<vmem>>, vector<1x128x128xf32>
    %get3A_596 = vector.shape_cast %get3A_595 : vector<1x128x128xf32> to vector<128x128xf32>
    %convert_element_type3A_597 = arith.truncf %get3A_596 : vector<128x128xf32> to vector<128x128xbf16>
    %slice3A_598 = vector.extract_strided_slice %convert_element_type3A_7 {offsets = [1152, 0], sizes = [128, 1024], strides = [1, 1]} : vector<2048x1024xbf16> to vector<128x1024xbf16>
    %slice3A_599 = vector.extract_strided_slice %convert_element_type3A_13 {offsets = [1152, 0], sizes = [128, 1024], strides = [1, 1]} : vector<2048x1024xbf16> to vector<128x1024xbf16>
    %dot_general3A_600 = arith.constant dense<0.000000e+00> : vector<128x1024xf32>
    %dot_general3A_601 = tpu.matmul %convert_element_type3A_591, %slice3A_598, %dot_general3A_600 {dimension_numbers = #tpu.dot_dimension_numbers<[1], [0], [0], [1], [0, 0, 1, 1], [], []>, transpose_lhs_hint = false} : vector<128x128xbf16>, vector<128x1024xbf16>, vector<128x1024xf32> -> vector<128x1024xf32>
    %convert_element_type3A_602 = arith.truncf %dot_general3A_601 : vector<128x1024xf32> to vector<128x1024xbf16>
    %get3A_603 = arith.constant 0 : index
    %get3A_604 = arith.constant 0 : index
    %get3A_605 = vector.load %arg6[%get3A_603, %get3A_604] : memref<1x1024xbf16, #tpu.memory_space<vmem>>, vector<1x1024xbf16>
    %add3A_606 = vector.broadcast %get3A_605 : vector<1x1024xbf16> to vector<128x1024xbf16>
    %add3A_607 = arith.addf %convert_element_type3A_602, %add3A_606 : vector<128x1024xbf16>
    %max3A_608 = arith.constant 0.000000e+00 : bf16
    %max3A_609 = vector.broadcast %max3A_608 : bf16 to vector<128x1024xbf16>
    %max3A_610 = arith.maximumf %add3A_607, %max3A_609 : vector<128x1024xbf16>
    %dot_general3A_611 = arith.constant dense<0.000000e+00> : vector<128x1024xf32>
    %dot_general3A_612 = tpu.matmul %convert_element_type3A_597, %slice3A_599, %dot_general3A_611 {dimension_numbers = #tpu.dot_dimension_numbers<[1], [0], [0], [1], [0, 0, 1, 1], [], []>, transpose_lhs_hint = false} : vector<128x128xbf16>, vector<128x1024xbf16>, vector<128x1024xf32> -> vector<128x1024xf32>
    %convert_element_type3A_613 = arith.truncf %dot_general3A_612 : vector<128x1024xf32> to vector<128x1024xbf16>
    %get3A_614 = arith.constant 0 : index
    %get3A_615 = arith.constant 0 : index
    %get3A_616 = vector.load %arg7[%get3A_614, %get3A_615] : memref<1x1024xbf16, #tpu.memory_space<vmem>>, vector<1x1024xbf16>
    %add3A_617 = vector.broadcast %get3A_616 : vector<1x1024xbf16> to vector<128x1024xbf16>
    %add3A_618 = arith.addf %convert_element_type3A_613, %add3A_617 : vector<128x1024xbf16>
    %max3A_619 = arith.constant 0.000000e+00 : bf16
    %max3A_620 = vector.broadcast %max3A_619 : bf16 to vector<128x1024xbf16>
    %max3A_621 = arith.maximumf %add3A_618, %max3A_620 : vector<128x1024xbf16>
    %get3A_622 = arith.constant 0 : index
    %get3A_623 = arith.constant 0 : index
    %get3A_624 = vector.load %arg8[%get3A_622, %get3A_623] : memref<1024x3xbf16, #tpu.memory_space<vmem>>, vector<1024x3xbf16>
    %dot_general3A_625 = arith.constant dense<0.000000e+00> : vector<128x3xf32>
    %dot_general3A_626 = tpu.matmul %max3A_610, %get3A_624, %dot_general3A_625 {dimension_numbers = #tpu.dot_dimension_numbers<[1], [0], [0], [1], [0, 0, 1, 1], [], []>, transpose_lhs_hint = false} : vector<128x1024xbf16>, vector<1024x3xbf16>, vector<128x3xf32> -> vector<128x3xf32>
    %get3A_627 = arith.constant 0 : index
    %get3A_628 = arith.constant 0 : index
    %get3A_629 = vector.load %arg9[%get3A_627, %get3A_628] : memref<1024x3xbf16, #tpu.memory_space<vmem>>, vector<1024x3xbf16>
    %dot_general3A_630 = arith.constant dense<0.000000e+00> : vector<128x3xf32>
    %dot_general3A_631 = tpu.matmul %max3A_621, %get3A_629, %dot_general3A_630 {dimension_numbers = #tpu.dot_dimension_numbers<[1], [0], [0], [1], [0, 0, 1, 1], [], []>, transpose_lhs_hint = false} : vector<128x1024xbf16>, vector<1024x3xbf16>, vector<128x3xf32> -> vector<128x3xf32>
    %convert_element_type3A_632 = arith.truncf %dot_general3A_626 : vector<128x3xf32> to vector<128x3xbf16>
    %dot_general3A_633 = arith.constant dense<0.000000e+00> : vector<128x3xf32>
    %dot_general3A_634 = tpu.matmul %convert_element_type3A_591, %convert_element_type3A_632, %dot_general3A_633 {dimension_numbers = #tpu.dot_dimension_numbers<[1], [0], [0], [1], [0, 0, 1, 1], [], []>, transpose_lhs_hint = false} : vector<128x128xbf16>, vector<128x3xbf16>, vector<128x3xf32> -> vector<128x3xf32>
    %convert_element_type3A_635 = arith.truncf %dot_general3A_631 : vector<128x3xf32> to vector<128x3xbf16>
    %dot_general3A_636 = arith.constant dense<0.000000e+00> : vector<128x3xf32>
    %dot_general3A_637 = tpu.matmul %convert_element_type3A_597, %convert_element_type3A_635, %dot_general3A_636 {dimension_numbers = #tpu.dot_dimension_numbers<[1], [0], [0], [1], [0, 0, 1, 1], [], []>, transpose_lhs_hint = false} : vector<128x128xbf16>, vector<128x3xbf16>, vector<128x3xf32> -> vector<128x3xf32>
    %add3A_638 = arith.addf %dot_general3A_634, %dot_general3A_637 : vector<128x3xf32>
    %get3A_639 = arith.constant 0 : index
    %get3A_640 = arith.constant 0 : index
    %get3A_641 = vector.load %arg10[%get3A_639, %get3A_640] : memref<1x3xf32, #tpu.memory_space<vmem>>, vector<1x3xf32>
    %add3A_642 = vector.broadcast %get3A_641 : vector<1x3xf32> to vector<128x3xf32>
    %add3A_643 = arith.addf %add3A_638, %add3A_642 : vector<128x3xf32>
    %swap3A_644 = arith.constant 9 : index
    %swap3A_645 = arith.constant 0 : index
    %swap3A_646 = arith.constant 0 : index
    %swap3A_647 = vector.load %arg11[%swap3A_644, %swap3A_645, %swap3A_646] : memref<16x128x3xf32, #tpu.memory_space<vmem>>, vector<1x128x3xf32>
    %swap3A_648 = vector.shape_cast %swap3A_647 : vector<1x128x3xf32> to vector<128x3xf32>
    %swap3A_649 = vector.shape_cast %add3A_643 : vector<128x3xf32> to vector<1x128x3xf32>
    tpu.vector_store %arg11[%swap3A_644, %swap3A_645, %swap3A_646], %swap3A_649 {strides = array<i32>} : memref<16x128x3xf32, #tpu.memory_space<vmem>>, vector<1x128x3xf32>,
    %get3A_650 = arith.constant 10 : index
    %get3A_651 = arith.constant 0 : index
    %get3A_652 = arith.constant 0 : index
    %get3A_653 = vector.load %arg2[%get3A_650, %get3A_651, %get3A_652] : memref<16x128x128xf32, #tpu.memory_space<vmem>>, vector<1x128x128xf32>
    %get3A_654 = vector.shape_cast %get3A_653 : vector<1x128x128xf32> to vector<128x128xf32>
    %convert_element_type3A_655 = arith.truncf %get3A_654 : vector<128x128xf32> to vector<128x128xbf16>
    %get3A_656 = arith.constant 10 : index
    %get3A_657 = arith.constant 0 : index
    %get3A_658 = arith.constant 0 : index
    %get3A_659 = vector.load %arg3[%get3A_656, %get3A_657, %get3A_658] : memref<16x128x128xf32, #tpu.memory_space<vmem>>, vector<1x128x128xf32>
    %get3A_660 = vector.shape_cast %get3A_659 : vector<1x128x128xf32> to vector<128x128xf32>
    %convert_element_type3A_661 = arith.truncf %get3A_660 : vector<128x128xf32> to vector<128x128xbf16>
    %slice3A_662 = vector.extract_strided_slice %convert_element_type3A_7 {offsets = [1280, 0], sizes = [128, 1024], strides = [1, 1]} : vector<2048x1024xbf16> to vector<128x1024xbf16>
    %slice3A_663 = vector.extract_strided_slice %convert_element_type3A_13 {offsets = [1280, 0], sizes = [128, 1024], strides = [1, 1]} : vector<2048x1024xbf16> to vector<128x1024xbf16>
    %dot_general3A_664 = arith.constant dense<0.000000e+00> : vector<128x1024xf32>
    %dot_general3A_665 = tpu.matmul %convert_element_type3A_655, %slice3A_662, %dot_general3A_664 {dimension_numbers = #tpu.dot_dimension_numbers<[1], [0], [0], [1], [0, 0, 1, 1], [], []>, transpose_lhs_hint = false} : vector<128x128xbf16>, vector<128x1024xbf16>, vector<128x1024xf32> -> vector<128x1024xf32>
    %convert_element_type3A_666 = arith.truncf %dot_general3A_665 : vector<128x1024xf32> to vector<128x1024xbf16>
    %get3A_667 = arith.constant 0 : index
    %get3A_668 = arith.constant 0 : index
    %get3A_669 = vector.load %arg6[%get3A_667, %get3A_668] : memref<1x1024xbf16, #tpu.memory_space<vmem>>, vector<1x1024xbf16>
    %add3A_670 = vector.broadcast %get3A_669 : vector<1x1024xbf16> to vector<128x1024xbf16>
    %add3A_671 = arith.addf %convert_element_type3A_666, %add3A_670 : vector<128x1024xbf16>
    %max3A_672 = arith.constant 0.000000e+00 : bf16
    %max3A_673 = vector.broadcast %max3A_672 : bf16 to vector<128x1024xbf16>
    %max3A_674 = arith.maximumf %add3A_671, %max3A_673 : vector<128x1024xbf16>
    %dot_general3A_675 = arith.constant dense<0.000000e+00> : vector<128x1024xf32>
    %dot_general3A_676 = tpu.matmul %convert_element_type3A_661, %slice3A_663, %dot_general3A_675 {dimension_numbers = #tpu.dot_dimension_numbers<[1], [0], [0], [1], [0, 0, 1, 1], [], []>, transpose_lhs_hint = false} : vector<128x128xbf16>, vector<128x1024xbf16>, vector<128x1024xf32> -> vector<128x1024xf32>
    %convert_element_type3A_677 = arith.truncf %dot_general3A_676 : vector<128x1024xf32> to vector<128x1024xbf16>
    %get3A_678 = arith.constant 0 : index
    %get3A_679 = arith.constant 0 : index
    %get3A_680 = vector.load %arg7[%get3A_678, %get3A_679] : memref<1x1024xbf16, #tpu.memory_space<vmem>>, vector<1x1024xbf16>
    %add3A_681 = vector.broadcast %get3A_680 : vector<1x1024xbf16> to vector<128x1024xbf16>
    %add3A_682 = arith.addf %convert_element_type3A_677, %add3A_681 : vector<128x1024xbf16>
    %max3A_683 = arith.constant 0.000000e+00 : bf16
    %max3A_684 = vector.broadcast %max3A_683 : bf16 to vector<128x1024xbf16>
    %max3A_685 = arith.maximumf %add3A_682, %max3A_684 : vector<128x1024xbf16>
    %get3A_686 = arith.constant 0 : index
    %get3A_687 = arith.constant 0 : index
    %get3A_688 = vector.load %arg8[%get3A_686, %get3A_687] : memref<1024x3xbf16, #tpu.memory_space<vmem>>, vector<1024x3xbf16>
    %dot_general3A_689 = arith.constant dense<0.000000e+00> : vector<128x3xf32>
    %dot_general3A_690 = tpu.matmul %max3A_674, %get3A_688, %dot_general3A_689 {dimension_numbers = #tpu.dot_dimension_numbers<[1], [0], [0], [1], [0, 0, 1, 1], [], []>, transpose_lhs_hint = false} : vector<128x1024xbf16>, vector<1024x3xbf16>, vector<128x3xf32> -> vector<128x3xf32>
    %get3A_691 = arith.constant 0 : index
    %get3A_692 = arith.constant 0 : index
    %get3A_693 = vector.load %arg9[%get3A_691, %get3A_692] : memref<1024x3xbf16, #tpu.memory_space<vmem>>, vector<1024x3xbf16>
    %dot_general3A_694 = arith.constant dense<0.000000e+00> : vector<128x3xf32>
    %dot_general3A_695 = tpu.matmul %max3A_685, %get3A_693, %dot_general3A_694 {dimension_numbers = #tpu.dot_dimension_numbers<[1], [0], [0], [1], [0, 0, 1, 1], [], []>, transpose_lhs_hint = false} : vector<128x1024xbf16>, vector<1024x3xbf16>, vector<128x3xf32> -> vector<128x3xf32>
    %convert_element_type3A_696 = arith.truncf %dot_general3A_690 : vector<128x3xf32> to vector<128x3xbf16>
    %dot_general3A_697 = arith.constant dense<0.000000e+00> : vector<128x3xf32>
    %dot_general3A_698 = tpu.matmul %convert_element_type3A_655, %convert_element_type3A_696, %dot_general3A_697 {dimension_numbers = #tpu.dot_dimension_numbers<[1], [0], [0], [1], [0, 0, 1, 1], [], []>, transpose_lhs_hint = false} : vector<128x128xbf16>, vector<128x3xbf16>, vector<128x3xf32> -> vector<128x3xf32>
    %convert_element_type3A_699 = arith.truncf %dot_general3A_695 : vector<128x3xf32> to vector<128x3xbf16>
    %dot_general3A_700 = arith.constant dense<0.000000e+00> : vector<128x3xf32>
    %dot_general3A_701 = tpu.matmul %convert_element_type3A_661, %convert_element_type3A_699, %dot_general3A_700 {dimension_numbers = #tpu.dot_dimension_numbers<[1], [0], [0], [1], [0, 0, 1, 1], [], []>, transpose_lhs_hint = false} : vector<128x128xbf16>, vector<128x3xbf16>, vector<128x3xf32> -> vector<128x3xf32>
    %add3A_702 = arith.addf %dot_general3A_698, %dot_general3A_701 : vector<128x3xf32>
    %get3A_703 = arith.constant 0 : index
    %get3A_704 = arith.constant 0 : index
    %get3A_705 = vector.load %arg10[%get3A_703, %get3A_704] : memref<1x3xf32, #tpu.memory_space<vmem>>, vector<1x3xf32>
    %add3A_706 = vector.broadcast %get3A_705 : vector<1x3xf32> to vector<128x3xf32>
    %add3A_707 = arith.addf %add3A_702, %add3A_706 : vector<128x3xf32>
    %swap3A_708 = arith.constant 10 : index
    %swap3A_709 = arith.constant 0 : index
    %swap3A_710 = arith.constant 0 : index
    %swap3A_711 = vector.load %arg11[%swap3A_708, %swap3A_709, %swap3A_710] : memref<16x128x3xf32, #tpu.memory_space<vmem>>, vector<1x128x3xf32>
    %swap3A_712 = vector.shape_cast %swap3A_711 : vector<1x128x3xf32> to vector<128x3xf32>
    %swap3A_713 = vector.shape_cast %add3A_707 : vector<128x3xf32> to vector<1x128x3xf32>
    tpu.vector_store %arg11[%swap3A_708, %swap3A_709, %swap3A_710], %swap3A_713 {strides = array<i32>} : memref<16x128x3xf32, #tpu.memory_space<vmem>>, vector<1x128x3xf32>,
    %get3A_714 = arith.constant 11 : index
    %get3A_715 = arith.constant 0 : index
    %get3A_716 = arith.constant 0 : index
    %get3A_717 = vector.load %arg2[%get3A_714, %get3A_715, %get3A_716] : memref<16x128x128xf32, #tpu.memory_space<vmem>>, vector<1x128x128xf32>
    %get3A_718 = vector.shape_cast %get3A_717 : vector<1x128x128xf32> to vector<128x128xf32>
    %convert_element_type3A_719 = arith.truncf %get3A_718 : vector<128x128xf32> to vector<128x128xbf16>
    %get3A_720 = arith.constant 11 : index
    %get3A_721 = arith.constant 0 : index
    %get3A_722 = arith.constant 0 : index
    %get3A_723 = vector.load %arg3[%get3A_720, %get3A_721, %get3A_722] : memref<16x128x128xf32, #tpu.memory_space<vmem>>, vector<1x128x128xf32>
    %get3A_724 = vector.shape_cast %get3A_723 : vector<1x128x128xf32> to vector<128x128xf32>
    %convert_element_type3A_725 = arith.truncf %get3A_724 : vector<128x128xf32> to vector<128x128xbf16>
    %slice3A_726 = vector.extract_strided_slice %convert_element_type3A_7 {offsets = [1408, 0], sizes = [128, 1024], strides = [1, 1]} : vector<2048x1024xbf16> to vector<128x1024xbf16>
    %slice3A_727 = vector.extract_strided_slice %convert_element_type3A_13 {offsets = [1408, 0], sizes = [128, 1024], strides = [1, 1]} : vector<2048x1024xbf16> to vector<128x1024xbf16>
    %dot_general3A_728 = arith.constant dense<0.000000e+00> : vector<128x1024xf32>
    %dot_general3A_729 = tpu.matmul %convert_element_type3A_719, %slice3A_726, %dot_general3A_728 {dimension_numbers = #tpu.dot_dimension_numbers<[1], [0], [0], [1], [0, 0, 1, 1], [], []>, transpose_lhs_hint = false} : vector<128x128xbf16>, vector<128x1024xbf16>, vector<128x1024xf32> -> vector<128x1024xf32>
    %convert_element_type3A_730 = arith.truncf %dot_general3A_729 : vector<128x1024xf32> to vector<128x1024xbf16>
    %get3A_731 = arith.constant 0 : index
    %get3A_732 = arith.constant 0 : index
    %get3A_733 = vector.load %arg6[%get3A_731, %get3A_732] : memref<1x1024xbf16, #tpu.memory_space<vmem>>, vector<1x1024xbf16>
    %add3A_734 = vector.broadcast %get3A_733 : vector<1x1024xbf16> to vector<128x1024xbf16>
    %add3A_735 = arith.addf %convert_element_type3A_730, %add3A_734 : vector<128x1024xbf16>
    %max3A_736 = arith.constant 0.000000e+00 : bf16
    %max3A_737 = vector.broadcast %max3A_736 : bf16 to vector<128x1024xbf16>
    %max3A_738 = arith.maximumf %add3A_735, %max3A_737 : vector<128x1024xbf16>
    %dot_general3A_739 = arith.constant dense<0.000000e+00> : vector<128x1024xf32>
    %dot_general3A_740 = tpu.matmul %convert_element_type3A_725, %slice3A_727, %dot_general3A_739 {dimension_numbers = #tpu.dot_dimension_numbers<[1], [0], [0], [1], [0, 0, 1, 1], [], []>, transpose_lhs_hint = false} : vector<128x128xbf16>, vector<128x1024xbf16>, vector<128x1024xf32> -> vector<128x1024xf32>
    %convert_element_type3A_741 = arith.truncf %dot_general3A_740 : vector<128x1024xf32> to vector<128x1024xbf16>
    %get3A_742 = arith.constant 0 : index
    %get3A_743 = arith.constant 0 : index
    %get3A_744 = vector.load %arg7[%get3A_742, %get3A_743] : memref<1x1024xbf16, #tpu.memory_space<vmem>>, vector<1x1024xbf16>
    %add3A_745 = vector.broadcast %get3A_744 : vector<1x1024xbf16> to vector<128x1024xbf16>
    %add3A_746 = arith.addf %convert_element_type3A_741, %add3A_745 : vector<128x1024xbf16>
    %max3A_747 = arith.constant 0.000000e+00 : bf16
    %max3A_748 = vector.broadcast %max3A_747 : bf16 to vector<128x1024xbf16>
    %max3A_749 = arith.maximumf %add3A_746, %max3A_748 : vector<128x1024xbf16>
    %get3A_750 = arith.constant 0 : index
    %get3A_751 = arith.constant 0 : index
    %get3A_752 = vector.load %arg8[%get3A_750, %get3A_751] : memref<1024x3xbf16, #tpu.memory_space<vmem>>, vector<1024x3xbf16>
    %dot_general3A_753 = arith.constant dense<0.000000e+00> : vector<128x3xf32>
    %dot_general3A_754 = tpu.matmul %max3A_738, %get3A_752, %dot_general3A_753 {dimension_numbers = #tpu.dot_dimension_numbers<[1], [0], [0], [1], [0, 0, 1, 1], [], []>, transpose_lhs_hint = false} : vector<128x1024xbf16>, vector<1024x3xbf16>, vector<128x3xf32> -> vector<128x3xf32>
    %get3A_755 = arith.constant 0 : index
    %get3A_756 = arith.constant 0 : index
    %get3A_757 = vector.load %arg9[%get3A_755, %get3A_756] : memref<1024x3xbf16, #tpu.memory_space<vmem>>, vector<1024x3xbf16>
    %dot_general3A_758 = arith.constant dense<0.000000e+00> : vector<128x3xf32>
    %dot_general3A_759 = tpu.matmul %max3A_749, %get3A_757, %dot_general3A_758 {dimension_numbers = #tpu.dot_dimension_numbers<[1], [0], [0], [1], [0, 0, 1, 1], [], []>, transpose_lhs_hint = false} : vector<128x1024xbf16>, vector<1024x3xbf16>, vector<128x3xf32> -> vector<128x3xf32>
    %convert_element_type3A_760 = arith.truncf %dot_general3A_754 : vector<128x3xf32> to vector<128x3xbf16>
    %dot_general3A_761 = arith.constant dense<0.000000e+00> : vector<128x3xf32>
    %dot_general3A_762 = tpu.matmul %convert_element_type3A_719, %convert_element_type3A_760, %dot_general3A_761 {dimension_numbers = #tpu.dot_dimension_numbers<[1], [0], [0], [1], [0, 0, 1, 1], [], []>, transpose_lhs_hint = false} : vector<128x128xbf16>, vector<128x3xbf16>, vector<128x3xf32> -> vector<128x3xf32>
    %convert_element_type3A_763 = arith.truncf %dot_general3A_759 : vector<128x3xf32> to vector<128x3xbf16>
    %dot_general3A_764 = arith.constant dense<0.000000e+00> : vector<128x3xf32>
    %dot_general3A_765 = tpu.matmul %convert_element_type3A_725, %convert_element_type3A_763, %dot_general3A_764 {dimension_numbers = #tpu.dot_dimension_numbers<[1], [0], [0], [1], [0, 0, 1, 1], [], []>, transpose_lhs_hint = false} : vector<128x128xbf16>, vector<128x3xbf16>, vector<128x3xf32> -> vector<128x3xf32>
    %add3A_766 = arith.addf %dot_general3A_762, %dot_general3A_765 : vector<128x3xf32>
    %get3A_767 = arith.constant 0 : index
    %get3A_768 = arith.constant 0 : index
    %get3A_769 = vector.load %arg10[%get3A_767, %get3A_768] : memref<1x3xf32, #tpu.memory_space<vmem>>, vector<1x3xf32>
    %add3A_770 = vector.broadcast %get3A_769 : vector<1x3xf32> to vector<128x3xf32>
    %add3A_771 = arith.addf %add3A_766, %add3A_770 : vector<128x3xf32>
    %swap3A_772 = arith.constant 11 : index
    %swap3A_773 = arith.constant 0 : index
    %swap3A_774 = arith.constant 0 : index
    %swap3A_775 = vector.load %arg11[%swap3A_772, %swap3A_773, %swap3A_774] : memref<16x128x3xf32, #tpu.memory_space<vmem>>, vector<1x128x3xf32>
    %swap3A_776 = vector.shape_cast %swap3A_775 : vector<1x128x3xf32> to vector<128x3xf32>
    %swap3A_777 = vector.shape_cast %add3A_771 : vector<128x3xf32> to vector<1x128x3xf32>
    tpu.vector_store %arg11[%swap3A_772, %swap3A_773, %swap3A_774], %swap3A_777 {strides = array<i32>} : memref<16x128x3xf32, #tpu.memory_space<vmem>>, vector<1x128x3xf32>,
    %get3A_778 = arith.constant 12 : index
    %get3A_779 = arith.constant 0 : index
    %get3A_780 = arith.constant 0 : index
    %get3A_781 = vector.load %arg2[%get3A_778, %get3A_779, %get3A_780] : memref<16x128x128xf32, #tpu.memory_space<vmem>>, vector<1x128x128xf32>
    %get3A_782 = vector.shape_cast %get3A_781 : vector<1x128x128xf32> to vector<128x128xf32>
    %convert_element_type3A_783 = arith.truncf %get3A_782 : vector<128x128xf32> to vector<128x128xbf16>
    %get3A_784 = arith.constant 12 : index
    %get3A_785 = arith.constant 0 : index
    %get3A_786 = arith.constant 0 : index
    %get3A_787 = vector.load %arg3[%get3A_784, %get3A_785, %get3A_786] : memref<16x128x128xf32, #tpu.memory_space<vmem>>, vector<1x128x128xf32>
    %get3A_788 = vector.shape_cast %get3A_787 : vector<1x128x128xf32> to vector<128x128xf32>
    %convert_element_type3A_789 = arith.truncf %get3A_788 : vector<128x128xf32> to vector<128x128xbf16>
    %slice3A_790 = vector.extract_strided_slice %convert_element_type3A_7 {offsets = [1536, 0], sizes = [128, 1024], strides = [1, 1]} : vector<2048x1024xbf16> to vector<128x1024xbf16>
    %slice3A_791 = vector.extract_strided_slice %convert_element_type3A_13 {offsets = [1536, 0], sizes = [128, 1024], strides = [1, 1]} : vector<2048x1024xbf16> to vector<128x1024xbf16>
    %dot_general3A_792 = arith.constant dense<0.000000e+00> : vector<128x1024xf32>
    %dot_general3A_793 = tpu.matmul %convert_element_type3A_783, %slice3A_790, %dot_general3A_792 {dimension_numbers = #tpu.dot_dimension_numbers<[1], [0], [0], [1], [0, 0, 1, 1], [], []>, transpose_lhs_hint = false} : vector<128x128xbf16>, vector<128x1024xbf16>, vector<128x1024xf32> -> vector<128x1024xf32>
    %convert_element_type3A_794 = arith.truncf %dot_general3A_793 : vector<128x1024xf32> to vector<128x1024xbf16>
    %get3A_795 = arith.constant 0 : index
    %get3A_796 = arith.constant 0 : index
    %get3A_797 = vector.load %arg6[%get3A_795, %get3A_796] : memref<1x1024xbf16, #tpu.memory_space<vmem>>, vector<1x1024xbf16>
    %add3A_798 = vector.broadcast %get3A_797 : vector<1x1024xbf16> to vector<128x1024xbf16>
    %add3A_799 = arith.addf %convert_element_type3A_794, %add3A_798 : vector<128x1024xbf16>
    %max3A_800 = arith.constant 0.000000e+00 : bf16
    %max3A_801 = vector.broadcast %max3A_800 : bf16 to vector<128x1024xbf16>
    %max3A_802 = arith.maximumf %add3A_799, %max3A_801 : vector<128x1024xbf16>
    %dot_general3A_803 = arith.constant dense<0.000000e+00> : vector<128x1024xf32>
    %dot_general3A_804 = tpu.matmul %convert_element_type3A_789, %slice3A_791, %dot_general3A_803 {dimension_numbers = #tpu.dot_dimension_numbers<[1], [0], [0], [1], [0, 0, 1, 1], [], []>, transpose_lhs_hint = false} : vector<128x128xbf16>, vector<128x1024xbf16>, vector<128x1024xf32> -> vector<128x1024xf32>
    %convert_element_type3A_805 = arith.truncf %dot_general3A_804 : vector<128x1024xf32> to vector<128x1024xbf16>
    %get3A_806 = arith.constant 0 : index
    %get3A_807 = arith.constant 0 : index
    %get3A_808 = vector.load %arg7[%get3A_806, %get3A_807] : memref<1x1024xbf16, #tpu.memory_space<vmem>>, vector<1x1024xbf16>
    %add3A_809 = vector.broadcast %get3A_808 : vector<1x1024xbf16> to vector<128x1024xbf16>
    %add3A_810 = arith.addf %convert_element_type3A_805, %add3A_809 : vector<128x1024xbf16>
    %max3A_811 = arith.constant 0.000000e+00 : bf16
    %max3A_812 = vector.broadcast %max3A_811 : bf16 to vector<128x1024xbf16>
    %max3A_813 = arith.maximumf %add3A_810, %max3A_812 : vector<128x1024xbf16>
    %get3A_814 = arith.constant 0 : index
    %get3A_815 = arith.constant 0 : index
    %get3A_816 = vector.load %arg8[%get3A_814, %get3A_815] : memref<1024x3xbf16, #tpu.memory_space<vmem>>, vector<1024x3xbf16>
    %dot_general3A_817 = arith.constant dense<0.000000e+00> : vector<128x3xf32>
    %dot_general3A_818 = tpu.matmul %max3A_802, %get3A_816, %dot_general3A_817 {dimension_numbers = #tpu.dot_dimension_numbers<[1], [0], [0], [1], [0, 0, 1, 1], [], []>, transpose_lhs_hint = false} : vector<128x1024xbf16>, vector<1024x3xbf16>, vector<128x3xf32> -> vector<128x3xf32>
    %get3A_819 = arith.constant 0 : index
    %get3A_820 = arith.constant 0 : index
    %get3A_821 = vector.load %arg9[%get3A_819, %get3A_820] : memref<1024x3xbf16, #tpu.memory_space<vmem>>, vector<1024x3xbf16>
    %dot_general3A_822 = arith.constant dense<0.000000e+00> : vector<128x3xf32>
    %dot_general3A_823 = tpu.matmul %max3A_813, %get3A_821, %dot_general3A_822 {dimension_numbers = #tpu.dot_dimension_numbers<[1], [0], [0], [1], [0, 0, 1, 1], [], []>, transpose_lhs_hint = false} : vector<128x1024xbf16>, vector<1024x3xbf16>, vector<128x3xf32> -> vector<128x3xf32>
    %convert_element_type3A_824 = arith.truncf %dot_general3A_818 : vector<128x3xf32> to vector<128x3xbf16>
    %dot_general3A_825 = arith.constant dense<0.000000e+00> : vector<128x3xf32>
    %dot_general3A_826 = tpu.matmul %convert_element_type3A_783, %convert_element_type3A_824, %dot_general3A_825 {dimension_numbers = #tpu.dot_dimension_numbers<[1], [0], [0], [1], [0, 0, 1, 1], [], []>, transpose_lhs_hint = false} : vector<128x128xbf16>, vector<128x3xbf16>, vector<128x3xf32> -> vector<128x3xf32>
    %convert_element_type3A_827 = arith.truncf %dot_general3A_823 : vector<128x3xf32> to vector<128x3xbf16>
    %dot_general3A_828 = arith.constant dense<0.000000e+00> : vector<128x3xf32>
    %dot_general3A_829 = tpu.matmul %convert_element_type3A_789, %convert_element_type3A_827, %dot_general3A_828 {dimension_numbers = #tpu.dot_dimension_numbers<[1], [0], [0], [1], [0, 0, 1, 1], [], []>, transpose_lhs_hint = false} : vector<128x128xbf16>, vector<128x3xbf16>, vector<128x3xf32> -> vector<128x3xf32>
    %add3A_830 = arith.addf %dot_general3A_826, %dot_general3A_829 : vector<128x3xf32>
    %get3A_831 = arith.constant 0 : index
    %get3A_832 = arith.constant 0 : index
    %get3A_833 = vector.load %arg10[%get3A_831, %get3A_832] : memref<1x3xf32, #tpu.memory_space<vmem>>, vector<1x3xf32>
    %add3A_834 = vector.broadcast %get3A_833 : vector<1x3xf32> to vector<128x3xf32>
    %add3A_835 = arith.addf %add3A_830, %add3A_834 : vector<128x3xf32>
    %swap3A_836 = arith.constant 12 : index
    %swap3A_837 = arith.constant 0 : index
    %swap3A_838 = arith.constant 0 : index
    %swap3A_839 = vector.load %arg11[%swap3A_836, %swap3A_837, %swap3A_838] : memref<16x128x3xf32, #tpu.memory_space<vmem>>, vector<1x128x3xf32>
    %swap3A_840 = vector.shape_cast %swap3A_839 : vector<1x128x3xf32> to vector<128x3xf32>
    %swap3A_841 = vector.shape_cast %add3A_835 : vector<128x3xf32> to vector<1x128x3xf32>
    tpu.vector_store %arg11[%swap3A_836, %swap3A_837, %swap3A_838], %swap3A_841 {strides = array<i32>} : memref<16x128x3xf32, #tpu.memory_space<vmem>>, vector<1x128x3xf32>,
    %get3A_842 = arith.constant 13 : index
    %get3A_843 = arith.constant 0 : index
    %get3A_844 = arith.constant 0 : index
    %get3A_845 = vector.load %arg2[%get3A_842, %get3A_843, %get3A_844] : memref<16x128x128xf32, #tpu.memory_space<vmem>>, vector<1x128x128xf32>
    %get3A_846 = vector.shape_cast %get3A_845 : vector<1x128x128xf32> to vector<128x128xf32>
    %convert_element_type3A_847 = arith.truncf %get3A_846 : vector<128x128xf32> to vector<128x128xbf16>
    %get3A_848 = arith.constant 13 : index
    %get3A_849 = arith.constant 0 : index
    %get3A_850 = arith.constant 0 : index
    %get3A_851 = vector.load %arg3[%get3A_848, %get3A_849, %get3A_850] : memref<16x128x128xf32, #tpu.memory_space<vmem>>, vector<1x128x128xf32>
    %get3A_852 = vector.shape_cast %get3A_851 : vector<1x128x128xf32> to vector<128x128xf32>
    %convert_element_type3A_853 = arith.truncf %get3A_852 : vector<128x128xf32> to vector<128x128xbf16>
    %slice3A_854 = vector.extract_strided_slice %convert_element_type3A_7 {offsets = [1664, 0], sizes = [128, 1024], strides = [1, 1]} : vector<2048x1024xbf16> to vector<128x1024xbf16>
    %slice3A_855 = vector.extract_strided_slice %convert_element_type3A_13 {offsets = [1664, 0], sizes = [128, 1024], strides = [1, 1]} : vector<2048x1024xbf16> to vector<128x1024xbf16>
    %dot_general3A_856 = arith.constant dense<0.000000e+00> : vector<128x1024xf32>
    %dot_general3A_857 = tpu.matmul %convert_element_type3A_847, %slice3A_854, %dot_general3A_856 {dimension_numbers = #tpu.dot_dimension_numbers<[1], [0], [0], [1], [0, 0, 1, 1], [], []>, transpose_lhs_hint = false} : vector<128x128xbf16>, vector<128x1024xbf16>, vector<128x1024xf32> -> vector<128x1024xf32>
    %convert_element_type3A_858 = arith.truncf %dot_general3A_857 : vector<128x1024xf32> to vector<128x1024xbf16>
    %get3A_859 = arith.constant 0 : index
    %get3A_860 = arith.constant 0 : index
    %get3A_861 = vector.load %arg6[%get3A_859, %get3A_860] : memref<1x1024xbf16, #tpu.memory_space<vmem>>, vector<1x1024xbf16>
    %add3A_862 = vector.broadcast %get3A_861 : vector<1x1024xbf16> to vector<128x1024xbf16>
    %add3A_863 = arith.addf %convert_element_type3A_858, %add3A_862 : vector<128x1024xbf16>
    %max3A_864 = arith.constant 0.000000e+00 : bf16
    %max3A_865 = vector.broadcast %max3A_864 : bf16 to vector<128x1024xbf16>
    %max3A_866 = arith.maximumf %add3A_863, %max3A_865 : vector<128x1024xbf16>
    %dot_general3A_867 = arith.constant dense<0.000000e+00> : vector<128x1024xf32>
    %dot_general3A_868 = tpu.matmul %convert_element_type3A_853, %slice3A_855, %dot_general3A_867 {dimension_numbers = #tpu.dot_dimension_numbers<[1], [0], [0], [1], [0, 0, 1, 1], [], []>, transpose_lhs_hint = false} : vector<128x128xbf16>, vector<128x1024xbf16>, vector<128x1024xf32> -> vector<128x1024xf32>
    %convert_element_type3A_869 = arith.truncf %dot_general3A_868 : vector<128x1024xf32> to vector<128x1024xbf16>
    %get3A_870 = arith.constant 0 : index
    %get3A_871 = arith.constant 0 : index
    %get3A_872 = vector.load %arg7[%get3A_870, %get3A_871] : memref<1x1024xbf16, #tpu.memory_space<vmem>>, vector<1x1024xbf16>
    %add3A_873 = vector.broadcast %get3A_872 : vector<1x1024xbf16> to vector<128x1024xbf16>
    %add3A_874 = arith.addf %convert_element_type3A_869, %add3A_873 : vector<128x1024xbf16>
    %max3A_875 = arith.constant 0.000000e+00 : bf16
    %max3A_876 = vector.broadcast %max3A_875 : bf16 to vector<128x1024xbf16>
    %max3A_877 = arith.maximumf %add3A_874, %max3A_876 : vector<128x1024xbf16>
    %get3A_878 = arith.constant 0 : index
    %get3A_879 = arith.constant 0 : index
    %get3A_880 = vector.load %arg8[%get3A_878, %get3A_879] : memref<1024x3xbf16, #tpu.memory_space<vmem>>, vector<1024x3xbf16>
    %dot_general3A_881 = arith.constant dense<0.000000e+00> : vector<128x3xf32>
    %dot_general3A_882 = tpu.matmul %max3A_866, %get3A_880, %dot_general3A_881 {dimension_numbers = #tpu.dot_dimension_numbers<[1], [0], [0], [1], [0, 0, 1, 1], [], []>, transpose_lhs_hint = false} : vector<128x1024xbf16>, vector<1024x3xbf16>, vector<128x3xf32> -> vector<128x3xf32>
    %get3A_883 = arith.constant 0 : index
    %get3A_884 = arith.constant 0 : index
    %get3A_885 = vector.load %arg9[%get3A_883, %get3A_884] : memref<1024x3xbf16, #tpu.memory_space<vmem>>, vector<1024x3xbf16>
    %dot_general3A_886 = arith.constant dense<0.000000e+00> : vector<128x3xf32>
    %dot_general3A_887 = tpu.matmul %max3A_877, %get3A_885, %dot_general3A_886 {dimension_numbers = #tpu.dot_dimension_numbers<[1], [0], [0], [1], [0, 0, 1, 1], [], []>, transpose_lhs_hint = false} : vector<128x1024xbf16>, vector<1024x3xbf16>, vector<128x3xf32> -> vector<128x3xf32>
    %convert_element_type3A_888 = arith.truncf %dot_general3A_882 : vector<128x3xf32> to vector<128x3xbf16>
    %dot_general3A_889 = arith.constant dense<0.000000e+00> : vector<128x3xf32>
    %dot_general3A_890 = tpu.matmul %convert_element_type3A_847, %convert_element_type3A_888, %dot_general3A_889 {dimension_numbers = #tpu.dot_dimension_numbers<[1], [0], [0], [1], [0, 0, 1, 1], [], []>, transpose_lhs_hint = false} : vector<128x128xbf16>, vector<128x3xbf16>, vector<128x3xf32> -> vector<128x3xf32>
    %convert_element_type3A_891 = arith.truncf %dot_general3A_887 : vector<128x3xf32> to vector<128x3xbf16>
    %dot_general3A_892 = arith.constant dense<0.000000e+00> : vector<128x3xf32>
    %dot_general3A_893 = tpu.matmul %convert_element_type3A_853, %convert_element_type3A_891, %dot_general3A_892 {dimension_numbers = #tpu.dot_dimension_numbers<[1], [0], [0], [1], [0, 0, 1, 1], [], []>, transpose_lhs_hint = false} : vector<128x128xbf16>, vector<128x3xbf16>, vector<128x3xf32> -> vector<128x3xf32>
    %add3A_894 = arith.addf %dot_general3A_890, %dot_general3A_893 : vector<128x3xf32>
    %get3A_895 = arith.constant 0 : index
    %get3A_896 = arith.constant 0 : index
    %get3A_897 = vector.load %arg10[%get3A_895, %get3A_896] : memref<1x3xf32, #tpu.memory_space<vmem>>, vector<1x3xf32>
    %add3A_898 = vector.broadcast %get3A_897 : vector<1x3xf32> to vector<128x3xf32>
    %add3A_899 = arith.addf %add3A_894, %add3A_898 : vector<128x3xf32>
    %swap3A_900 = arith.constant 13 : index
    %swap3A_901 = arith.constant 0 : index
    %swap3A_902 = arith.constant 0 : index
    %swap3A_903 = vector.load %arg11[%swap3A_900, %swap3A_901, %swap3A_902] : memref<16x128x3xf32, #tpu.memory_space<vmem>>, vector<1x128x3xf32>
    %swap3A_904 = vector.shape_cast %swap3A_903 : vector<1x128x3xf32> to vector<128x3xf32>
    %swap3A_905 = vector.shape_cast %add3A_899 : vector<128x3xf32> to vector<1x128x3xf32>
    tpu.vector_store %arg11[%swap3A_900, %swap3A_901, %swap3A_902], %swap3A_905 {strides = array<i32>} : memref<16x128x3xf32, #tpu.memory_space<vmem>>, vector<1x128x3xf32>,
    %get3A_906 = arith.constant 14 : index
    %get3A_907 = arith.constant 0 : index
    %get3A_908 = arith.constant 0 : index
    %get3A_909 = vector.load %arg2[%get3A_906, %get3A_907, %get3A_908] : memref<16x128x128xf32, #tpu.memory_space<vmem>>, vector<1x128x128xf32>
    %get3A_910 = vector.shape_cast %get3A_909 : vector<1x128x128xf32> to vector<128x128xf32>
    %convert_element_type3A_911 = arith.truncf %get3A_910 : vector<128x128xf32> to vector<128x128xbf16>
    %get3A_912 = arith.constant 14 : index
    %get3A_913 = arith.constant 0 : index
    %get3A_914 = arith.constant 0 : index
    %get3A_915 = vector.load %arg3[%get3A_912, %get3A_913, %get3A_914] : memref<16x128x128xf32, #tpu.memory_space<vmem>>, vector<1x128x128xf32>
    %get3A_916 = vector.shape_cast %get3A_915 : vector<1x128x128xf32> to vector<128x128xf32>
    %convert_element_type3A_917 = arith.truncf %get3A_916 : vector<128x128xf32> to vector<128x128xbf16>
    %slice3A_918 = vector.extract_strided_slice %convert_element_type3A_7 {offsets = [1792, 0], sizes = [128, 1024], strides = [1, 1]} : vector<2048x1024xbf16> to vector<128x1024xbf16>
    %slice3A_919 = vector.extract_strided_slice %convert_element_type3A_13 {offsets = [1792, 0], sizes = [128, 1024], strides = [1, 1]} : vector<2048x1024xbf16> to vector<128x1024xbf16>
    %dot_general3A_920 = arith.constant dense<0.000000e+00> : vector<128x1024xf32>
    %dot_general3A_921 = tpu.matmul %convert_element_type3A_911, %slice3A_918, %dot_general3A_920 {dimension_numbers = #tpu.dot_dimension_numbers<[1], [0], [0], [1], [0, 0, 1, 1], [], []>, transpose_lhs_hint = false} : vector<128x128xbf16>, vector<128x1024xbf16>, vector<128x1024xf32> -> vector<128x1024xf32>
    %convert_element_type3A_922 = arith.truncf %dot_general3A_921 : vector<128x1024xf32> to vector<128x1024xbf16>
    %get3A_923 = arith.constant 0 : index
    %get3A_924 = arith.constant 0 : index
    %get3A_925 = vector.load %arg6[%get3A_923, %get3A_924] : memref<1x1024xbf16, #tpu.memory_space<vmem>>, vector<1x1024xbf16>
    %add3A_926 = vector.broadcast %get3A_925 : vector<1x1024xbf16> to vector<128x1024xbf16>
    %add3A_927 = arith.addf %convert_element_type3A_922, %add3A_926 : vector<128x1024xbf16>
    %max3A_928 = arith.constant 0.000000e+00 : bf16
    %max3A_929 = vector.broadcast %max3A_928 : bf16 to vector<128x1024xbf16>
    %max3A_930 = arith.maximumf %add3A_927, %max3A_929 : vector<128x1024xbf16>
    %dot_general3A_931 = arith.constant dense<0.000000e+00> : vector<128x1024xf32>
    %dot_general3A_932 = tpu.matmul %convert_element_type3A_917, %slice3A_919, %dot_general3A_931 {dimension_numbers = #tpu.dot_dimension_numbers<[1], [0], [0], [1], [0, 0, 1, 1], [], []>, transpose_lhs_hint = false} : vector<128x128xbf16>, vector<128x1024xbf16>, vector<128x1024xf32> -> vector<128x1024xf32>
    %convert_element_type3A_933 = arith.truncf %dot_general3A_932 : vector<128x1024xf32> to vector<128x1024xbf16>
    %get3A_934 = arith.constant 0 : index
    %get3A_935 = arith.constant 0 : index
    %get3A_936 = vector.load %arg7[%get3A_934, %get3A_935] : memref<1x1024xbf16, #tpu.memory_space<vmem>>, vector<1x1024xbf16>
    %add3A_937 = vector.broadcast %get3A_936 : vector<1x1024xbf16> to vector<128x1024xbf16>
    %add3A_938 = arith.addf %convert_element_type3A_933, %add3A_937 : vector<128x1024xbf16>
    %max3A_939 = arith.constant 0.000000e+00 : bf16
    %max3A_940 = vector.broadcast %max3A_939 : bf16 to vector<128x1024xbf16>
    %max3A_941 = arith.maximumf %add3A_938, %max3A_940 : vector<128x1024xbf16>
    %get3A_942 = arith.constant 0 : index
    %get3A_943 = arith.constant 0 : index
    %get3A_944 = vector.load %arg8[%get3A_942, %get3A_943] : memref<1024x3xbf16, #tpu.memory_space<vmem>>, vector<1024x3xbf16>
    %dot_general3A_945 = arith.constant dense<0.000000e+00> : vector<128x3xf32>
    %dot_general3A_946 = tpu.matmul %max3A_930, %get3A_944, %dot_general3A_945 {dimension_numbers = #tpu.dot_dimension_numbers<[1], [0], [0], [1], [0, 0, 1, 1], [], []>, transpose_lhs_hint = false} : vector<128x1024xbf16>, vector<1024x3xbf16>, vector<128x3xf32> -> vector<128x3xf32>
    %get3A_947 = arith.constant 0 : index
    %get3A_948 = arith.constant 0 : index
    %get3A_949 = vector.load %arg9[%get3A_947, %get3A_948] : memref<1024x3xbf16, #tpu.memory_space<vmem>>, vector<1024x3xbf16>
    %dot_general3A_950 = arith.constant dense<0.000000e+00> : vector<128x3xf32>
    %dot_general3A_951 = tpu.matmul %max3A_941, %get3A_949, %dot_general3A_950 {dimension_numbers = #tpu.dot_dimension_numbers<[1], [0], [0], [1], [0, 0, 1, 1], [], []>, transpose_lhs_hint = false} : vector<128x1024xbf16>, vector<1024x3xbf16>, vector<128x3xf32> -> vector<128x3xf32>
    %convert_element_type3A_952 = arith.truncf %dot_general3A_946 : vector<128x3xf32> to vector<128x3xbf16>
    %dot_general3A_953 = arith.constant dense<0.000000e+00> : vector<128x3xf32>
    %dot_general3A_954 = tpu.matmul %convert_element_type3A_911, %convert_element_type3A_952, %dot_general3A_953 {dimension_numbers = #tpu.dot_dimension_numbers<[1], [0], [0], [1], [0, 0, 1, 1], [], []>, transpose_lhs_hint = false} : vector<128x128xbf16>, vector<128x3xbf16>, vector<128x3xf32> -> vector<128x3xf32>
    %convert_element_type3A_955 = arith.truncf %dot_general3A_951 : vector<128x3xf32> to vector<128x3xbf16>
    %dot_general3A_956 = arith.constant dense<0.000000e+00> : vector<128x3xf32>
    %dot_general3A_957 = tpu.matmul %convert_element_type3A_917, %convert_element_type3A_955, %dot_general3A_956 {dimension_numbers = #tpu.dot_dimension_numbers<[1], [0], [0], [1], [0, 0, 1, 1], [], []>, transpose_lhs_hint = false} : vector<128x128xbf16>, vector<128x3xbf16>, vector<128x3xf32> -> vector<128x3xf32>
    %add3A_958 = arith.addf %dot_general3A_954, %dot_general3A_957 : vector<128x3xf32>
    %get3A_959 = arith.constant 0 : index
    %get3A_960 = arith.constant 0 : index
    %get3A_961 = vector.load %arg10[%get3A_959, %get3A_960] : memref<1x3xf32, #tpu.memory_space<vmem>>, vector<1x3xf32>
    %add3A_962 = vector.broadcast %get3A_961 : vector<1x3xf32> to vector<128x3xf32>
    %add3A_963 = arith.addf %add3A_958, %add3A_962 : vector<128x3xf32>
    %swap3A_964 = arith.constant 14 : index
    %swap3A_965 = arith.constant 0 : index
    %swap3A_966 = arith.constant 0 : index
    %swap3A_967 = vector.load %arg11[%swap3A_964, %swap3A_965, %swap3A_966] : memref<16x128x3xf32, #tpu.memory_space<vmem>>, vector<1x128x3xf32>
    %swap3A_968 = vector.shape_cast %swap3A_967 : vector<1x128x3xf32> to vector<128x3xf32>
    %swap3A_969 = vector.shape_cast %add3A_963 : vector<128x3xf32> to vector<1x128x3xf32>
    tpu.vector_store %arg11[%swap3A_964, %swap3A_965, %swap3A_966], %swap3A_969 {strides = array<i32>} : memref<16x128x3xf32, #tpu.memory_space<vmem>>, vector<1x128x3xf32>,
    %get3A_970 = arith.constant 15 : index
    %get3A_971 = arith.constant 0 : index
    %get3A_972 = arith.constant 0 : index
    %get3A_973 = vector.load %arg2[%get3A_970, %get3A_971, %get3A_972] : memref<16x128x128xf32, #tpu.memory_space<vmem>>, vector<1x128x128xf32>
    %get3A_974 = vector.shape_cast %get3A_973 : vector<1x128x128xf32> to vector<128x128xf32>
    %convert_element_type3A_975 = arith.truncf %get3A_974 : vector<128x128xf32> to vector<128x128xbf16>
    %get3A_976 = arith.constant 15 : index
    %get3A_977 = arith.constant 0 : index
    %get3A_978 = arith.constant 0 : index
    %get3A_979 = vector.load %arg3[%get3A_976, %get3A_977, %get3A_978] : memref<16x128x128xf32, #tpu.memory_space<vmem>>, vector<1x128x128xf32>
    %get3A_980 = vector.shape_cast %get3A_979 : vector<1x128x128xf32> to vector<128x128xf32>
    %convert_element_type3A_981 = arith.truncf %get3A_980 : vector<128x128xf32> to vector<128x128xbf16>
    %slice3A_982 = vector.extract_strided_slice %convert_element_type3A_7 {offsets = [1920, 0], sizes = [128, 1024], strides = [1, 1]} : vector<2048x1024xbf16> to vector<128x1024xbf16>
    %slice3A_983 = vector.extract_strided_slice %convert_element_type3A_13 {offsets = [1920, 0], sizes = [128, 1024], strides = [1, 1]} : vector<2048x1024xbf16> to vector<128x1024xbf16>
    %dot_general3A_984 = arith.constant dense<0.000000e+00> : vector<128x1024xf32>
    %dot_general3A_985 = tpu.matmul %convert_element_type3A_975, %slice3A_982, %dot_general3A_984 {dimension_numbers = #tpu.dot_dimension_numbers<[1], [0], [0], [1], [0, 0, 1, 1], [], []>, transpose_lhs_hint = false} : vector<128x128xbf16>, vector<128x1024xbf16>, vector<128x1024xf32> -> vector<128x1024xf32>
    %convert_element_type3A_986 = arith.truncf %dot_general3A_985 : vector<128x1024xf32> to vector<128x1024xbf16>
    %get3A_987 = arith.constant 0 : index
    %get3A_988 = arith.constant 0 : index
    %get3A_989 = vector.load %arg6[%get3A_987, %get3A_988] : memref<1x1024xbf16, #tpu.memory_space<vmem>>, vector<1x1024xbf16>
    %add3A_990 = vector.broadcast %get3A_989 : vector<1x1024xbf16> to vector<128x1024xbf16>
    %add3A_991 = arith.addf %convert_element_type3A_986, %add3A_990 : vector<128x1024xbf16>
    %max3A_992 = arith.constant 0.000000e+00 : bf16
    %max3A_993 = vector.broadcast %max3A_992 : bf16 to vector<128x1024xbf16>
    %max3A_994 = arith.maximumf %add3A_991, %max3A_993 : vector<128x1024xbf16>
    %dot_general3A_995 = arith.constant dense<0.000000e+00> : vector<128x1024xf32>
    %dot_general3A_996 = tpu.matmul %convert_element_type3A_981, %slice3A_983, %dot_general3A_995 {dimension_numbers = #tpu.dot_dimension_numbers<[1], [0], [0], [1], [0, 0, 1, 1], [], []>, transpose_lhs_hint = false} : vector<128x128xbf16>, vector<128x1024xbf16>, vector<128x1024xf32> -> vector<128x1024xf32>
    %convert_element_type3A_997 = arith.truncf %dot_general3A_996 : vector<128x1024xf32> to vector<128x1024xbf16>
    %get3A_998 = arith.constant 0 : index
    %get3A_999 = arith.constant 0 : index
    %get3A_1000 = vector.load %arg7[%get3A_998, %get3A_999] : memref<1x1024xbf16, #tpu.memory_space<vmem>>, vector<1x1024xbf16>
    %add3A_1001 = vector.broadcast %get3A_1000 : vector<1x1024xbf16> to vector<128x1024xbf16>
    %add3A_1002 = arith.addf %convert_element_type3A_997, %add3A_1001 : vector<128x1024xbf16>
    %max3A_1003 = arith.constant 0.000000e+00 : bf16
    %max3A_1004 = vector.broadcast %max3A_1003 : bf16 to vector<128x1024xbf16>
    %max3A_1005 = arith.maximumf %add3A_1002, %max3A_1004 : vector<128x1024xbf16>
    %get3A_1006 = arith.constant 0 : index
    %get3A_1007 = arith.constant 0 : index
    %get3A_1008 = vector.load %arg8[%get3A_1006, %get3A_1007] : memref<1024x3xbf16, #tpu.memory_space<vmem>>, vector<1024x3xbf16>
    %dot_general3A_1009 = arith.constant dense<0.000000e+00> : vector<128x3xf32>
    %dot_general3A_1010 = tpu.matmul %max3A_994, %get3A_1008, %dot_general3A_1009 {dimension_numbers = #tpu.dot_dimension_numbers<[1], [0], [0], [1], [0, 0, 1, 1], [], []>, transpose_lhs_hint = false} : vector<128x1024xbf16>, vector<1024x3xbf16>, vector<128x3xf32> -> vector<128x3xf32>
    %get3A_1011 = arith.constant 0 : index
    %get3A_1012 = arith.constant 0 : index
    %get3A_1013 = vector.load %arg9[%get3A_1011, %get3A_1012] : memref<1024x3xbf16, #tpu.memory_space<vmem>>, vector<1024x3xbf16>
    %dot_general3A_1014 = arith.constant dense<0.000000e+00> : vector<128x3xf32>
    %dot_general3A_1015 = tpu.matmul %max3A_1005, %get3A_1013, %dot_general3A_1014 {dimension_numbers = #tpu.dot_dimension_numbers<[1], [0], [0], [1], [0, 0, 1, 1], [], []>, transpose_lhs_hint = false} : vector<128x1024xbf16>, vector<1024x3xbf16>, vector<128x3xf32> -> vector<128x3xf32>
    %convert_element_type3A_1016 = arith.truncf %dot_general3A_1010 : vector<128x3xf32> to vector<128x3xbf16>
    %dot_general3A_1017 = arith.constant dense<0.000000e+00> : vector<128x3xf32>
    %dot_general3A_1018 = tpu.matmul %convert_element_type3A_975, %convert_element_type3A_1016, %dot_general3A_1017 {dimension_numbers = #tpu.dot_dimension_numbers<[1], [0], [0], [1], [0, 0, 1, 1], [], []>, transpose_lhs_hint = false} : vector<128x128xbf16>, vector<128x3xbf16>, vector<128x3xf32> -> vector<128x3xf32>
    %convert_element_type3A_1019 = arith.truncf %dot_general3A_1015 : vector<128x3xf32> to vector<128x3xbf16>
    %dot_general3A_1020 = arith.constant dense<0.000000e+00> : vector<128x3xf32>
    %dot_general3A_1021 = tpu.matmul %convert_element_type3A_981, %convert_element_type3A_1019, %dot_general3A_1020 {dimension_numbers = #tpu.dot_dimension_numbers<[1], [0], [0], [1], [0, 0, 1, 1], [], []>, transpose_lhs_hint = false} : vector<128x128xbf16>, vector<128x3xbf16>, vector<128x3xf32> -> vector<128x3xf32>
    %add3A_1022 = arith.addf %dot_general3A_1018, %dot_general3A_1021 : vector<128x3xf32>
    %get3A_1023 = arith.constant 0 : index
    %get3A_1024 = arith.constant 0 : index
    %get3A_1025 = vector.load %arg10[%get3A_1023, %get3A_1024] : memref<1x3xf32, #tpu.memory_space<vmem>>, vector<1x3xf32>
    %add3A_1026 = vector.broadcast %get3A_1025 : vector<1x3xf32> to vector<128x3xf32>
    %add3A_1027 = arith.addf %add3A_1022, %add3A_1026 : vector<128x3xf32>
    %swap3A_1028 = arith.constant 15 : index
    %swap3A_1029 = arith.constant 0 : index
    %swap3A_1030 = arith.constant 0 : index
    %swap3A_1031 = vector.load %arg11[%swap3A_1028, %swap3A_1029, %swap3A_1030] : memref<16x128x3xf32, #tpu.memory_space<vmem>>, vector<1x128x3xf32>
    %swap3A_1032 = vector.shape_cast %swap3A_1031 : vector<1x128x3xf32> to vector<128x3xf32>
    %swap3A_1033 = vector.shape_cast %add3A_1027 : vector<128x3xf32> to vector<1x128x3xf32>
    tpu.vector_store %arg11[%swap3A_1028, %swap3A_1029, %swap3A_1030], %swap3A_1033 {strides = array<i32>} : memref<16x128x3xf32, #tpu.memory_space<vmem>>, vector<1x128x3xf32>,
    return
  }
  func.func @transform_0(%arg0: i32) -> (i32, i32, i32) {
    %c0_i32 = arith.constant 0 : i32
    %c0_i32_0 = arith.constant 0 : i32
    %c0_i32_1 = arith.constant 0 : i32
    return %arg0, %c0_i32, %c0_i32_0 : i32, i32, i32
  }
  func.func @transform_1(%arg0: i32) -> (i32, i32, i32) {
    %c0_i32 = arith.constant 0 : i32
    %c0_i32_0 = arith.constant 0 : i32
    %c0_i32_1 = arith.constant 0 : i32
    return %arg0, %c0_i32, %c0_i32_0 : i32, i32, i32
  }
  func.func @transform_2(%arg0: i32) -> (i32, i32, i32) {
    %c0_i32 = arith.constant 0 : i32
    %c0_i32_0 = arith.constant 0 : i32
    %c0_i32_1 = arith.constant 0 : i32
    return %arg0, %c0_i32, %c0_i32_0 : i32, i32, i32
  }
  func.func @transform_3(%arg0: i32) -> (i32, i32) {
    %c0_i32 = arith.constant 0 : i32
    %c0_i32_0 = arith.constant 0 : i32
    %c0_i32_1 = arith.constant 0 : i32
    return %c0_i32, %c0_i32_0 : i32, i32
  }
  func.func @transform_4(%arg0: i32) -> (i32, i32) {
    %c0_i32 = arith.constant 0 : i32
    %c0_i32_0 = arith.constant 0 : i32
    %c0_i32_1 = arith.constant 0 : i32
    return %c0_i32, %c0_i32_0 : i32, i32
  }
  func.func @transform_5(%arg0: i32) -> (i32, i32) {
    %c0_i32 = arith.constant 0 : i32
    %c0_i32_0 = arith.constant 0 : i32
    %c0_i32_1 = arith.constant 0 : i32
    return %c0_i32, %c0_i32_0 : i32, i32
  }
  func.func @transform_6(%arg0: i32) -> (i32, i32) {
    %c0_i32 = arith.constant 0 : i32
    %c0_i32_0 = arith.constant 0 : i32
    %c0_i32_1 = arith.constant 0 : i32
    return %c0_i32, %c0_i32_0 : i32, i32
  }
  func.func @transform_7(%arg0: i32) -> (i32, i32) {
    %c0_i32 = arith.constant 0 : i32
    %c0_i32_0 = arith.constant 0 : i32
    %c0_i32_1 = arith.constant 0 : i32
    return %c0_i32, %c0_i32_0 : i32, i32
  }
  func.func @transform_8(%arg0: i32) -> (i32, i32) {
    %c0_i32 = arith.constant 0 : i32
    %c0_i32_0 = arith.constant 0 : i32
    %c0_i32_1 = arith.constant 0 : i32
    return %c0_i32, %c0_i32_0 : i32, i32
  }
  func.func @transform_9(%arg0: i32) -> (i32, i32) {
    %c0_i32 = arith.constant 0 : i32
    %c0_i32_0 = arith.constant 0 : i32
    %c0_i32_1 = arith.constant 0 : i32
    return %c0_i32, %c0_i32_0 : i32, i32
  }
  func.func @transform_10(%arg0: i32) -> (i32, i32, i32) {
    %c0_i32 = arith.constant 0 : i32
    %c0_i32_0 = arith.constant 0 : i32
    %c0_i32_1 = arith.constant 0 : i32
    return %arg0, %c0_i32, %c0_i32_0 : i32, i32, i32
  }
}

</mosaic_0001>

<sc_bundles>
// kernel: kernel.5.cloned.1.call-start
scs
__scs_entry_jumppad:
0x0: {  	(pc) =	sbr.rel $0x88, $3  }
0x1: {  	(tag) =	ssettag $0x0;
	lr =	simm.s32 $0x1  }
0x2: {  	[smem:$0x3F93] =	sst lr;
	_ =	strace $0xD0000000  }
0x3: {  	_ = 	snop  }
0x4: {  	_ = 	snop  }
0x5: {  	_ = 	snop  }
0x6: {  	_ = 	snop  }
0x7: {  	_ = 	snop  }
__scs_overlays_trampoline_lowered:
0x8: {  	[smem:$0x3FA2] =	sst s0  }
0x9: {  	[smem:$0x3FA3] =	sst s1  }
0xa: {  	[smem:$0x3FA4] =	sst s2  }
0xb: {  	[smem:$0x3FA5] =	sst s3  }
0xc: {  	[smem:$0x3FA6] =	sst s4  }
0xd: {  	[smem:$0x3FA7] =	sst s5  }
0xe: {  	[smem:$0x3FA8] =	sst s6  }
0xf: {  	[smem:$0x3FA9] =	sst s7  }
0x10: {  	[smem:$0x3FAA] =	sst s8  }
0x11: {  	[smem:$0x3FAB] =	sst s9;
	s0 =	simm.s32 @!p0 $0x0  }
0x12: {  	s1 =	sld [smem:$0x3F91];
	s0 =	simm.s32 @p0 $0x1  }
0x13: {  	[smem:$0x3FAC] =	sst s0;
	s0 =	simm.s32 @!p1 $0x0  }
0x14: {  	s2 =	sld [smem:$0x3F90];
	s0 =	simm.s32 @p1 $0x1  }
0x15: {  	[smem:$0x3FAD] =	sst s0;
	s0 =	simm.s32 @!p2 $0x0  }
0x16: {  	s3 =	sld [smem:$0x3FDB];
	s0 =	simm.s32 @p2 $0x1  }
0x17: {  	s4 =	simm.s32 $0x1BF5;
	[smem:$0x3FAF] =	sst s0  }
0x18: {  	s0 =	sld [smem:$0x3F92];
	_ =	swait.ge [sflag:s4], $0x0  }
0x19: {  	s7 =	sld [smem:$0x3F93]  }
0x1a: {  	s8 =	sadd.s32 $0xFFFFE003, lr  }
0x1b: {  	s9 =	sadd.s32 $0xFFFFFEF7, lr;
	s5 =	simm.s32 $0xFFFFFFFF;
	p2 =	slt.u32 s8, $0xFFFFF086  }
0x1c: {  	p1 =	slt.u32 s9, $0xF7A;
	s5 =	simm.s32 @!p2 $0x0  }
0x1d: {  	s5 =	simm.s32 @p1 $0x1;
	p0 =	seq.s32 s7, s2  }
0x1e: {  	s7 =	smul.u32 @!p0 $0xF7A, s2;
	p2 =	seq.s32 @!p0 s5, $0x0  }
0x1f: {  	s9 =	smul.u32 $0xF7A, s1;
	s8 =	simm.s32 @!p0 $0x1BF5;
	p2 =	por !p2, p0  }
0x20: {  	[sflag:s8] =	ssyncset.s32 @!p0 $0xFFFFF086;
	s6 =	sadd.s32 @!p0 s3, s7;
	s7 =	simm.s32 @!p0 $0x108  }
0x21: {  	s3 =	sadd.s32 s3, s9;
	s6 =	sadd.s32 @!p0 $0x88, s6;
	s7 =	simm.s32 @p2 $0x1082  }
0x22: {  	[simem:s7], [sflag:s8] =	dma.local @!p0 [hbm:s6], $0xF7A  }
0x23: {  	s9 =	sor.u32 $0xD0000000, s2;
	s6 =	simm.s32 $0x108;
	_ =	swait.ge @!p0 [sflag:s8], $0x0  }
0x24: {  	s3 =	sadd.s32 $0x88, s3;
	s6 =	simm.s32 @!p1 $0x1082;
	[sflag:s4] =	ssyncset.s32 $0xFFFFF086  }
0x25: {  	[simem:s6], [sflag:s4] =	dma.local [hbm:s3], $0xF7A  }
0x26: {  	[smem:$0x3F93] =	sst s1;
	(tag) =	ssettag s2;
	_ =	strace s9  }
0x27: {  	s1 =	sld [smem:$0x3FA3]  }
0x28: {  	s2 =	sld [smem:$0x3FA4]  }
0x29: {  	s4 =	sld [smem:$0x3FA6]  }
0x2a: {  	p0 =	seq.s32 s5, $0x0;
	s5 =	sld [smem:$0x3FA7]  }
0x2b: {  	s6 =	sld [smem:$0x3FA8]  }
0x2c: {  	s7 =	sld [smem:$0x3FA9]  }
0x2d: {  	s3 =	simm.s32 $0x108;
	s8 =	sld [smem:$0x3FAA]  }
0x2e: {  	s3 =	simm.s32 @!p0 $0x1082;
	s9 =	sld [smem:$0x3FAB]  }
0x2f: {  	lr =	sadd.s32 s0, s3;
	s0 =	sld [smem:$0x3FA2]  }
0x30: {  	s3 =	sld [smem:$0x3FA5]  }
0x31: {  	[smem:$0x3FAE] =	sst s10  }
0x32: {  	s10 =	sld [smem:$0x3FAC];
	_ =	sdelay $0x3  }
0x33: {  	p0 =	seq.s32 s10, $0x1;
	s10 =	sld [smem:$0x3FAE];
	_ =	sdelay $0x3  }
0x34: {  	[smem:$0x3FAE] =	sst s10  }
0x35: {  	s10 =	sld [smem:$0x3FAD];
	_ =	sdelay $0x3  }
0x36: {  	p1 =	seq.s32 s10, $0x1;
	s10 =	sld [smem:$0x3FAE];
	_ =	sdelay $0x3  }
0x37: {  	[smem:$0x3FAE] =	sst s10  }
0x38: {  	s10 =	sld [smem:$0x3FAF]  }
0x39: {  	_ = 	snop;
	(pc) =	sbr.ind lr, $3  }
0x3a: {  	_ = 	snop  }
0x3b: {  	_ = 	snop  }
0x3c: {  	p2 =	seq.s32 s10, $0x1;
	s10 =	sld [smem:$0x3FAE]  }
0x3d: {  	_ =	shalt  }
0x3e: {  	_ =	shalt  }
0x3f: {  	_ =	shalt  }
0x40: {  	_ =	shalt  }
0x41: {  	_ =	shalt  }
0x42: {  	_ =	shalt  }
0x43: {  	_ =	shalt  }
0x44: {  	_ =	shalt  }
0x45: {  	_ =	shalt  }
0x46: {  	_ =	shalt  }
0x47: {  	_ =	shalt  }
0x48: {  	_ =	shalt  }
0x49: {  	_ =	shalt  }
0x4a: {  	_ =	shalt  }
0x4b: {  	_ =	shalt  }
0x4c: {  	_ =	shalt  }
0x4d: {  	_ =	shalt  }
0x4e: {  	_ =	shalt  }
0x4f: {  	_ =	shalt  }
0x50: {  	_ =	shalt  }
0x51: {  	_ =	shalt  }
0x52: {  	_ =	shalt  }
0x53: {  	_ =	shalt  }
0x54: {  	_ =	shalt  }
0x55: {  	_ =	shalt  }
0x56: {  	_ =	shalt  }
0x57: {  	_ =	shalt  }
0x58: {  	_ =	shalt  }
0x59: {  	_ =	shalt  }
0x5a: {  	_ =	shalt  }
0x5b: {  	_ =	shalt  }
0x5c: {  	_ =	shalt  }
0x5d: {  	_ =	shalt  }
0x5e: {  	_ =	shalt  }
0x5f: {  	_ =	shalt  }
0x60: {  	_ =	shalt  }
0x61: {  	_ =	shalt  }
0x62: {  	_ =	shalt  }
0x63: {  	_ =	shalt  }
0x64: {  	_ =	shalt  }
0x65: {  	_ =	shalt  }
0x66: {  	_ =	shalt  }
0x67: {  	_ =	shalt  }
0x68: {  	_ =	shalt  }
0x69: {  	_ =	shalt  }
0x6a: {  	_ =	shalt  }
0x6b: {  	_ =	shalt  }
0x6c: {  	_ =	shalt  }
0x6d: {  	_ =	shalt  }
0x6e: {  	_ =	shalt  }
0x6f: {  	_ =	shalt  }
0x70: {  	_ =	shalt  }
0x71: {  	_ =	shalt  }
0x72: {  	_ =	shalt  }
0x73: {  	_ =	shalt  }
0x74: {  	_ =	shalt  }
0x75: {  	_ =	shalt  }
0x76: {  	_ =	shalt  }
0x77: {  	_ =	shalt  }
0x78: {  	_ =	shalt  }
0x79: {  	_ =	shalt  }
0x7a: {  	_ =	shalt  }
0x7b: {  	_ =	shalt  }
0x7c: {  	_ =	shalt  }
0x7d: {  	_ =	shalt  }
0x7e: {  	_ =	shalt  }
0x7f: {  	_ =	shalt  }
0x80: {  	_ =	shalt  }
0x81: {  	_ =	shalt  }
0x82: {  	_ =	shalt  }
0x83: {  	_ =	shalt  }
0x84: {  	_ =	shalt  }
0x85: {  	_ =	shalt  }
0x86: {  	_ =	shalt  }
0x87: {  	_ =	shalt  }
.Lfunc_end0:
.L_simem_size_0:
called_computation_lowered:
.L_overlay_start_0:
0x88: {  	s2 =	sld [smem:$0x3FD9]  }
0x89: {  	s3 =	sld [smem:$0x3FFE];
	_ =	sdelay $0x1  }
0x8a: {  	s1 =	srdreg.scid  }
0x8b: {  	s0 =	sand.u32 $0x1, s1  }
0x8c: {  	s17 =	sshll.u32 s0, $0xA;
	s2 =	sadd.s32 s3, s2  }
0x8d: {  	s2 =	sadd.s32 s2, s17  }
0x8e: {  	[smem:$0x3FBA] =	sst s2  }
0x8f: {  	_ = 	snop  }
0x90: {  	s2 =	sld [smem:$0x3FC9]  }
0x91: {  	s18 =	sld [smem:$0x3FC6];
	(tm) =	ssettm $0x1  }
0x92: {  	s4 =	sld [smem:$0x3FFB];
	_ =	sdelay $0x3  }
0x93: {  	_ =	strace s4  }
0x94: {  	s4 =	sld [smem:$0x3FFC];
	_ =	sdelay $0x3  }
0x95: {  	_ =	strace s4  }
0x96: {  	s4 =	sld [smem:$0x3FFD];
	_ =	sdelay $0x3  }
0x97: {  	_ =	strace s4  }
0x98: {  	_ =	strace $0x8FFFFFFF  }
0x99: {  	s19 =	sld [smem:$0x3FDB];
	_ =	sdelay $0x1  }
0x9a: {  	s5 =	simm.s32 $_scs_section_size  }
0x9b: {  	s6 =	simm.s32 $_size__tile_overlayer_lowered;
	s7 =	simm.s32 $_tile_overlayer_lowered  }
0x9c: {  	s22 =	simm.s32 $0x1BFF;
	s21 =	sshll.u32 s7, $0x1;
	s4 =	sadd.s32 s5, s19  }
0x9d: {  	s8 =	simm.s32 $0x0;
	s20 =	sshll.u32 s6, $0x1;
	s6 =	sadd.s32 s21, s4  }
0x9e: {  	[timem:s8], [sflag:s22] =	dma.local [hbm:s6], s20  }
0x9f: {  	_ =	swait.ge [sflag:s22], s20  }
0xa0: {  	s5 =	ssub.s32 $0x0, s20;
	[sflag:s22] =	ssyncset.done $0x0  }
0xa1: {  	[sflag:s22] =	ssyncadd.s32 s5;
	_ =	sdelay $0x1  }
0xa2: {  	s23 =	simm.s32 $0x1B8B  }
0xa3: {  	_ =	swait.ge [sflag:s23], $0x1  }
0xa4: {  	[sflag:s23] =	ssyncset.done $0x0  }
0xa5: {  	s25 =	simm.s32 $0x1B8E;
	s24 =	sld [smem:$0x3FFE];
	[sflag:s23] =	ssyncadd.s32 $0xFFFFFFFF  }
0xa6: {  	s26 =	simm.s32 $execute0_lowered;
	[smem:$0x3FD2] =	sst s25  }
0xa7: {  	s6 =	sshll.u32 s26, $0x1;
	_ =	strace $0x80000046;
	[dreg:$0x1] =	wrdreg $0xFFFFFFFF  }
0xa8: {  	s28 =	simm.s32 $_size_execute0_lowered;
	s4 =	sadd.s32 s4, s6;
	[dreg:$0x0] =	wrdreg $0x0  }
0xa9: {  	s6 =	sshll.u32 s28, $0x1;
	[dreg:$0x2] =	wrdreg s4  }
0xaa: {  	[dreg:$0x3] =	wrdreg s6  }
0xab: {  	[dreg:$0x4] =	wrdreg $0xC0  }
0xac: {  	_ =	task [dreg:s8], $0x5FFFF  }
0xad: {  	[dreg:$0x1] =	wrdreg $0xFFFFFFFF  }
0xae: {  	[dreg:$0x0] =	wrdreg $0x60  }
0xaf: {  	[dreg:$0x2] =	wrdreg s18  }
0xb0: {  	[dreg:$0x3] =	wrdreg s2  }
0xb1: {  	[dreg:$0x4] =	wrdreg s24  }
0xb2: {  	[dreg:$0x5] =	wrdreg $0x9  }
0xb3: {  	_ =	task.clear_ibuf [dreg:s8], $0x6FFFF;
	_ =	strace $0x90000046  }
0xb4: {  	s29 =	simm.s32 $0x9;
	_ =	strace $0x80000048  }
0xb5: {  	_ =	swait.ge [sflag:s29], $0x1  }
0xb6: {  	[sflag:s29] =	ssyncadd.s32 $0xFFFFFFFF  }
0xb7: {  	_ =	strace $0x90000048  }
0xb8: {  	_ =	sfence  }
0xb9: {  	s30 =	sld [smem:$0x0];
	_ =	sdelay $0x2  }
0xba: {  	s31 =	sshll.u32 s1, $0xD;
	s1 =	sshrl.u32 s1, $0x2  }
0xbb: {  	s3 =	sand.u32 $0x4000, s31;
	s1 =	sadd.s32 s1, s30  }
0xbc: {  	s0 =	sor.u32 s3, s0;
	s1 =	sshll.u32 s1, $0x11  }
0xbd: {  	s0 =	sor.u32 s1, s0  }
0xbe: {  	s0 =	sadd.s32 $0x8F2B, s0  }
0xbf: {  	[sflag:s0] =	ssyncadd.remote.s32 $0x1  }
0xc0: {  	_ =	sfence.sel $0xFFFF  }
0xc1: {  	[dreg:$0x0] =	wrdreg $0xFFFFFFFF;
	(pc) =	sbr.abs _section_cstart, $3  }
0xc2: {  	[dreg:$0x1] =	wrdreg $0xFFFFFFFF  }
0xc3: {  	_ =	task.clear_ibuf [dreg:s8], $0x2FFFF;
	_ =	strace $0x9FFFFFFF  }
0xc4: {  	(tm) =	ssettm $0x7FFFFFFF  }
0xc5: {  	_ =	shalt  }
tec
execute0_lowered:
.L_overlay_start_1:
0x0: {  	(tag) =	ssettag $0x1  }
0x1: {  	s1 =	rddreg [dreg:$0x0]  }
0x2: {  	s0 =	srdreg.scid;
	s2 =	rddreg [dreg:$0x1]  }
0x3: {  	s3 =	stileid.u32;
	s4 =	rddreg [dreg:$0x2]  }
0x4: {  	s14 =	simm.s32 $0x1;
	s15 =	simm.s32 $0x4;
	s16 =	simm.s32 $0x2  }
0x5: {  	s17 =	simm.s32 $0x5;
	s29 =	simm.s32 $0x3;
	s30 =	simm.s32 $0x4200  }
0x6: {  	s31 =	simm.s32 $0x4A00;
	s7 =	simm.s32 $0x10200;
	s11 =	simm.s32 $0x10A00  }
0x7: {  	s12 =	simm.s32 $0x11200;
	s13 =	simm.s32 $0x11A00;
	s0 =	sand.u32 $0x1, s0  }
0x8: {  	s8 =	simm.s32 $0x13A00;
	s5 =	sshll.u32 s3, $0xA;
	s6 =	sshll.u32 s0, $0x9  }
0x9: {  	s9 =	simm.s32 $0x14200;
	s10 =	simm.s32 $0x14A00;
	s5 =	sor.u32 s6, s5  }
0xa: {  	s3 =	simm.s32 $0x0;
	s6 =	sshll.u32 s5, $0x6;
	s5 =	sshrl.u32 s5, $0x3  }
0xb: {  	[smem:$0x7FF] =	sst s3;
	s6 =	sadd.s32 s6, s4;
	s2 =	sadd.s32 s2, s5  }
0xc: {  	_ =	strace $0x80000047;
	[dreg:$0x4] =	wrdreg s2;
	s18 =	sadd.s32 $0x2200, s6  }
0xd: {  	s28 =	simm.s32 $0x17A00;
	s19 =	sadd.s32 $0x3200, s6;
	[dreg:$0x5] =	wrdreg s18  }
0xe: {  	s0 =	ssub.s32 $0x2, s0;
	s20 =	sadd.s32 $0x4200, s6;
	[dreg:$0x6] =	wrdreg s19  }
0xf: {  	s23 =	sshrl.u32 s0, $0x1;
	s21 =	sadd.s32 $0x5200, s6;
	[dreg:$0x7] =	wrdreg s20  }
0x10: {  	s0 =	ssub.s32 s0, s23;
	s22 =	sadd.s32 $0x6200, s6;
	[dreg:$0x8] =	wrdreg s21  }
0x11: {  	s23 =	simm.s32 $0x200;
	s24 =	sadd.s32 $0x7200, s6;
	[dreg:$0x9] =	wrdreg s22  }
0x12: {  	s4 =	sadd.s32 $0x100, s1;
	s25 =	sadd.s32 $0x8200, s6;
	[dreg:$0xa] =	wrdreg s24  }
0x13: {  	s5 =	smax.u32 s0, $0x1;
	s26 =	sadd.s32 $0x9200, s6;
	[dreg:$0xb] =	wrdreg s25  }
0x14: {  	v2 =	vlaneseq.u32;
	s6 =	simm.s32 $0x12A00;
	[dreg:$0xc] =	wrdreg s26;
	s19 =	simm.s32 $0x6  }
0x15: {  	vm0 =	vmmov $0xffff;
	v1 =	vshrl.u32 v2, $0x3;
	s18 =	simm.s32 $0x13200;
	s21 =	simm.s32 $0x15200;
	s22 =	simm.s32 $0x15A00  }
0x16: {  	v0 =	vand.u32 $0x7, v2;
	v2 =	vor.u32 $0x8, v2;
	v1 =	vmul.u32 $0x8, v1;
	s24 =	simm.s32 $0x16200;
	s25 =	simm.s32 $0x16A00;
	s26 =	simm.s32 $0x17200  }
.LBB2_1:
0x17: {  	s20 =	rddreg [dreg:$0x4];
	s2 =	simm.s32 $0x7  }
0x18: {  	[tilespmem:s3], [sflag:$0x7] =	stream.linear.gather [hbm4b:s20+s3], $0x200, $0x38;
	[tilespmem:$0x18200] =	vst v63  }
0x19: {  	_ =	swait.ge [sflag:s2], $0x200  }
0x1a: {  	[sflag:s2] =	ssyncset.done $0x0  }
0x1b: {  	[sflag:s2] =	ssyncadd.s32 $0xFFFFFE00  }
0x1c: {  	v3 =	vld [tilespmem:$0x0];
	_ =	sdelay $0x4  }
0x1d: {  	v4 =	vshll.u32 v3, $0x2  }
0x1e: {  	v3 =	vand.u32 $0x7, v3;
	v4 =	vand.u32 $0xFFFFFFE0, v4  }
0x1f: {  	v3 =	vor.u32 v3, v4  }
0x20: {  	v4 =	vperm.xlane v3, v0;
	_ =	sdelay $0x1  }
0x21: {  	v4 =	vadd.s32 v1, v4;
	_ =	sdelay $0x1  }
0x22: {  	v3 =	vperm.xlane v3, v2;
	_ =	sdelay $0x1  }
0x23: {  	v3 =	vadd.s32 v1, v3  }
0x24: {  	[tilespmem:s23], [sflag:$0x1] =	stream.indirect_vreg.gather [hbm4b:s1+s3], $0x80, v4, vm0, $0xb8;
	[tilespmem:$0x18200] =	vst v63  }
0x25: {  	s0 =	simm.s32 $0xA00  }
0x26: {  	[tilespmem:s0], [sflag:$0x1] =	stream.indirect_vreg.gather [hbm4b:s4+s3], $0x80, v4, vm0, $0xb8;
	[tilespmem:$0x18200] =	vst v63  }
0x27: {  	s20 =	simm.s32 $0x1200  }
0x28: {  	[tilespmem:s20], [sflag:$0x1] =	stream.indirect_vreg.gather [hbm4b:s1+s3], $0x80, v3, vm0, $0xb8;
	[tilespmem:$0x18200] =	vst v63  }
0x29: {  	s2 =	simm.s32 $0x1A00  }
0x2a: {  	[tilespmem:s2], [sflag:$0x1] =	stream.indirect_vreg.gather [hbm4b:s4+s3], $0x80, v3, vm0, $0xb8;
	[tilespmem:$0x18200] =	vst v63  }
0x2b: {  	v3 =	vld [tilespmem:$0x10];
	_ =	sdelay $0x4  }
0x2c: {  	v33 =	vshll.u32 v3, $0x2  }
0x2d: {  	v3 =	vand.u32 $0x7, v3;
	v4 =	vand.u32 $0xFFFFFFE0, v33  }
0x2e: {  	v3 =	vor.u32 v3, v4  }
0x2f: {  	v4 =	vperm.xlane v3, v0;
	_ =	sdelay $0x1  }
0x30: {  	v4 =	vadd.s32 v1, v4;
	_ =	sdelay $0x1  }
0x31: {  	v3 =	vperm.xlane v3, v2;
	_ =	sdelay $0x1  }
0x32: {  	s20 =	simm.s32 $0x2200;
	v3 =	vadd.s32 v1, v3  }
0x33: {  	[tilespmem:s20], [sflag:$0x1] =	stream.indirect_vreg.gather [hbm4b:s1+s3], $0x80, v4, vm0, $0xb8;
	[tilespmem:$0x18200] =	vst v63  }
0x34: {  	s2 =	simm.s32 $0x2A00  }
0x35: {  	[tilespmem:s2], [sflag:$0x1] =	stream.indirect_vreg.gather [hbm4b:s4+s3], $0x80, v4, vm0, $0xb8;
	[tilespmem:$0x18200] =	vst v63  }
0x36: {  	s20 =	simm.s32 $0x3200  }
0x37: {  	[tilespmem:s20], [sflag:$0x1] =	stream.indirect_vreg.gather [hbm4b:s1+s3], $0x80, v3, vm0, $0xb8;
	[tilespmem:$0x18200] =	vst v63  }
0x38: {  	s2 =	simm.s32 $0x3A00  }
0x39: {  	[tilespmem:s2], [sflag:$0x1] =	stream.indirect_vreg.gather [hbm4b:s4+s3], $0x80, v3, vm0, $0xb8;
	[tilespmem:$0x18200] =	vst v63  }
0x3a: {  	v3 =	vld [tilespmem:$0x20];
	_ =	sdelay $0x4  }
0x3b: {  	v34 =	vshll.u32 v3, $0x2  }
0x3c: {  	v3 =	vand.u32 $0x7, v3;
	v4 =	vand.u32 $0xFFFFFFE0, v34  }
0x3d: {  	v3 =	vor.u32 v3, v4  }
0x3e: {  	v4 =	vperm.xlane v3, v0;
	_ =	sdelay $0x1  }
0x3f: {  	v4 =	vadd.s32 v1, v4;
	_ =	sdelay $0x1  }
0x40: {  	v3 =	vperm.xlane v3, v2;
	_ =	sdelay $0x1  }
0x41: {  	v3 =	vadd.s32 v1, v3  }
0x42: {  	[tilespmem:s30], [sflag:$0x1] =	stream.indirect_vreg.gather [hbm4b:s1+s3], $0x80, v4, vm0, $0xb8;
	[tilespmem:$0x18200] =	vst v63  }
0x43: {  	_ = 	snop  }
0x44: {  	[tilespmem:s31], [sflag:$0x1] =	stream.indirect_vreg.gather [hbm4b:s4+s3], $0x80, v4, vm0, $0xb8;
	[tilespmem:$0x18200] =	vst v63  }
0x45: {  	s20 =	simm.s32 $0x5200  }
0x46: {  	[tilespmem:s20], [sflag:$0x1] =	stream.indirect_vreg.gather [hbm4b:s1+s3], $0x80, v3, vm0, $0xb8;
	[tilespmem:$0x18200] =	vst v63  }
0x47: {  	s2 =	simm.s32 $0x5A00  }
0x48: {  	[tilespmem:s2], [sflag:$0x1] =	stream.indirect_vreg.gather [hbm4b:s4+s3], $0x80, v3, vm0, $0xb8;
	[tilespmem:$0x18200] =	vst v63  }
0x49: {  	v3 =	vld [tilespmem:$0x30];
	_ =	sdelay $0x4  }
0x4a: {  	v35 =	vshll.u32 v3, $0x2  }
0x4b: {  	v3 =	vand.u32 $0x7, v3;
	v4 =	vand.u32 $0xFFFFFFE0, v35  }
0x4c: {  	v3 =	vor.u32 v3, v4  }
0x4d: {  	v4 =	vperm.xlane v3, v0;
	_ =	sdelay $0x1  }
0x4e: {  	v4 =	vadd.s32 v1, v4;
	_ =	sdelay $0x1  }
0x4f: {  	v3 =	vperm.xlane v3, v2;
	_ =	sdelay $0x1  }
0x50: {  	s20 =	simm.s32 $0x6200;
	v3 =	vadd.s32 v1, v3  }
0x51: {  	[tilespmem:s20], [sflag:$0x1] =	stream.indirect_vreg.gather [hbm4b:s1+s3], $0x80, v4, vm0, $0xb8;
	[tilespmem:$0x18200] =	vst v63  }
0x52: {  	s2 =	simm.s32 $0x6A00  }
0x53: {  	[tilespmem:s2], [sflag:$0x1] =	stream.indirect_vreg.gather [hbm4b:s4+s3], $0x80, v4, vm0, $0xb8;
	[tilespmem:$0x18200] =	vst v63  }
0x54: {  	s20 =	simm.s32 $0x7200  }
0x55: {  	[tilespmem:s20], [sflag:$0x1] =	stream.indirect_vreg.gather [hbm4b:s1+s3], $0x80, v3, vm0, $0xb8;
	[tilespmem:$0x18200] =	vst v63  }
0x56: {  	s2 =	simm.s32 $0x7A00  }
0x57: {  	[tilespmem:s2], [sflag:$0x1] =	stream.indirect_vreg.gather [hbm4b:s4+s3], $0x80, v3, vm0, $0xb8;
	[tilespmem:$0x18200] =	vst v63  }
0x58: {  	v3 =	vld [tilespmem:$0x40];
	_ =	sdelay $0x4  }
0x59: {  	v36 =	vshll.u32 v3, $0x2  }
0x5a: {  	v3 =	vand.u32 $0x7, v3;
	v4 =	vand.u32 $0xFFFFFFE0, v36  }
0x5b: {  	v3 =	vor.u32 v3, v4  }
0x5c: {  	v4 =	vperm.xlane v3, v0;
	_ =	sdelay $0x1  }
0x5d: {  	v4 =	vadd.s32 v1, v4;
	_ =	sdelay $0x1  }
0x5e: {  	v3 =	vperm.xlane v3, v2;
	_ =	sdelay $0x1  }
0x5f: {  	s0 =	simm.s32 $0x8200;
	v3 =	vadd.s32 v1, v3  }
0x60: {  	[tilespmem:s0], [sflag:$0x2] =	stream.indirect_vreg.gather [hbm4b:s1+s3], $0x80, v4, vm0, $0xb8;
	[tilespmem:$0x18200] =	vst v63  }
0x61: {  	s2 =	simm.s32 $0x8A00  }
0x62: {  	[tilespmem:s2], [sflag:$0x2] =	stream.indirect_vreg.gather [hbm4b:s4+s3], $0x80, v4, vm0, $0xb8;
	[tilespmem:$0x18200] =	vst v63  }
0x63: {  	s20 =	simm.s32 $0x9200  }
0x64: {  	[tilespmem:s20], [sflag:$0x2] =	stream.indirect_vreg.gather [hbm4b:s1+s3], $0x80, v3, vm0, $0xb8;
	[tilespmem:$0x18200] =	vst v63  }
0x65: {  	s20 =	simm.s32 $0x9A00  }
0x66: {  	[tilespmem:s20], [sflag:$0x2] =	stream.indirect_vreg.gather [hbm4b:s4+s3], $0x80, v3, vm0, $0xb8;
	[tilespmem:$0x18200] =	vst v63  }
0x67: {  	v3 =	vld [tilespmem:$0x50];
	_ =	sdelay $0x4  }
0x68: {  	v37 =	vshll.u32 v3, $0x2  }
0x69: {  	v3 =	vand.u32 $0x7, v3;
	v4 =	vand.u32 $0xFFFFFFE0, v37  }
0x6a: {  	v3 =	vor.u32 v3, v4  }
0x6b: {  	v4 =	vperm.xlane v3, v0;
	_ =	sdelay $0x1  }
0x6c: {  	v4 =	vadd.s32 v1, v4;
	_ =	sdelay $0x1  }
0x6d: {  	v3 =	vperm.xlane v3, v2;
	_ =	sdelay $0x1  }
0x6e: {  	s20 =	simm.s32 $0xA200;
	v3 =	vadd.s32 v1, v3  }
0x6f: {  	[tilespmem:s20], [sflag:$0x2] =	stream.indirect_vreg.gather [hbm4b:s1+s3], $0x80, v4, vm0, $0xb8;
	[tilespmem:$0x18200] =	vst v63  }
0x70: {  	s20 =	simm.s32 $0xAA00  }
0x71: {  	[tilespmem:s20], [sflag:$0x2] =	stream.indirect_vreg.gather [hbm4b:s4+s3], $0x80, v4, vm0, $0xb8;
	[tilespmem:$0x18200] =	vst v63  }
0x72: {  	s20 =	simm.s32 $0xB200  }
0x73: {  	[tilespmem:s20], [sflag:$0x2] =	stream.indirect_vreg.gather [hbm4b:s1+s3], $0x80, v3, vm0, $0xb8;
	[tilespmem:$0x18200] =	vst v63  }
0x74: {  	s20 =	simm.s32 $0xBA00  }
0x75: {  	[tilespmem:s20], [sflag:$0x2] =	stream.indirect_vreg.gather [hbm4b:s4+s3], $0x80, v3, vm0, $0xb8;
	[tilespmem:$0x18200] =	vst v63  }
0x76: {  	v3 =	vld [tilespmem:$0x60];
	_ =	sdelay $0x4  }
0x77: {  	v38 =	vshll.u32 v3, $0x2  }
0x78: {  	v3 =	vand.u32 $0x7, v3;
	v4 =	vand.u32 $0xFFFFFFE0, v38  }
0x79: {  	v3 =	vor.u32 v3, v4  }
0x7a: {  	v4 =	vperm.xlane v3, v0;
	_ =	sdelay $0x1  }
0x7b: {  	v4 =	vadd.s32 v1, v4;
	_ =	sdelay $0x1  }
0x7c: {  	v3 =	vperm.xlane v3, v2;
	_ =	sdelay $0x1  }
0x7d: {  	s20 =	simm.s32 $0xC200;
	v3 =	vadd.s32 v1, v3  }
0x7e: {  	[tilespmem:s20], [sflag:$0x2] =	stream.indirect_vreg.gather [hbm4b:s1+s3], $0x80, v4, vm0, $0xb8;
	[tilespmem:$0x18200] =	vst v63  }
0x7f: {  	s20 =	simm.s32 $0xCA00  }
0x80: {  	[tilespmem:s20], [sflag:$0x2] =	stream.indirect_vreg.gather [hbm4b:s4+s3], $0x80, v4, vm0, $0xb8;
	[tilespmem:$0x18200] =	vst v63  }
0x81: {  	s20 =	simm.s32 $0xD200  }
0x82: {  	[tilespmem:s20], [sflag:$0x2] =	stream.indirect_vreg.gather [hbm4b:s1+s3], $0x80, v3, vm0, $0xb8;
	[tilespmem:$0x18200] =	vst v63  }
0x83: {  	s20 =	simm.s32 $0xDA00  }
0x84: {  	[tilespmem:s20], [sflag:$0x2] =	stream.indirect_vreg.gather [hbm4b:s4+s3], $0x80, v3, vm0, $0xb8;
	[tilespmem:$0x18200] =	vst v63  }
0x85: {  	v3 =	vld [tilespmem:$0x70];
	_ =	sdelay $0x4  }
0x86: {  	v39 =	vshll.u32 v3, $0x2  }
0x87: {  	v3 =	vand.u32 $0x7, v3;
	v4 =	vand.u32 $0xFFFFFFE0, v39  }
0x88: {  	v3 =	vor.u32 v3, v4  }
0x89: {  	v4 =	vperm.xlane v3, v0;
	_ =	sdelay $0x1  }
0x8a: {  	v4 =	vadd.s32 v1, v4;
	_ =	sdelay $0x1  }
0x8b: {  	v3 =	vperm.xlane v3, v2;
	_ =	sdelay $0x1  }
0x8c: {  	s20 =	simm.s32 $0xE200;
	v3 =	vadd.s32 v1, v3  }
0x8d: {  	[tilespmem:s20], [sflag:$0x2] =	stream.indirect_vreg.gather [hbm4b:s1+s3], $0x80, v4, vm0, $0xb8;
	[tilespmem:$0x18200] =	vst v63  }
0x8e: {  	s20 =	simm.s32 $0xEA00  }
0x8f: {  	[tilespmem:s20], [sflag:$0x2] =	stream.indirect_vreg.gather [hbm4b:s4+s3], $0x80, v4, vm0, $0xb8;
	[tilespmem:$0x18200] =	vst v63  }
0x90: {  	s20 =	simm.s32 $0xF200  }
0x91: {  	[tilespmem:s20], [sflag:$0x2] =	stream.indirect_vreg.gather [hbm4b:s1+s3], $0x80, v3, vm0, $0xb8;
	[tilespmem:$0x18200] =	vst v63  }
0x92: {  	s20 =	simm.s32 $0xFA00  }
0x93: {  	[tilespmem:s20], [sflag:$0x2] =	stream.indirect_vreg.gather [hbm4b:s4+s3], $0x80, v3, vm0, $0xb8;
	[tilespmem:$0x18200] =	vst v63  }
0x94: {  	v3 =	vld [tilespmem:$0x80];
	_ =	sdelay $0x4  }
0x95: {  	v40 =	vshll.u32 v3, $0x2  }
0x96: {  	v3 =	vand.u32 $0x7, v3;
	v4 =	vand.u32 $0xFFFFFFE0, v40  }
0x97: {  	v3 =	vor.u32 v3, v4  }
0x98: {  	v4 =	vperm.xlane v3, v0;
	_ =	sdelay $0x1  }
0x99: {  	v4 =	vadd.s32 v1, v4;
	_ =	sdelay $0x1  }
0x9a: {  	v3 =	vperm.xlane v3, v2;
	_ =	sdelay $0x1  }
0x9b: {  	v3 =	vadd.s32 v1, v3  }
0x9c: {  	[tilespmem:s7], [sflag:$0x3] =	stream.indirect_vreg.gather [hbm4b:s1+s3], $0x80, v4, vm0, $0xb8;
	[tilespmem:$0x18200] =	vst v63  }
0x9d: {  	_ = 	snop  }
0x9e: {  	[tilespmem:s11], [sflag:$0x3] =	stream.indirect_vreg.gather [hbm4b:s4+s3], $0x80, v4, vm0, $0xb8;
	[tilespmem:$0x18200] =	vst v63  }
0x9f: {  	_ = 	snop  }
0xa0: {  	[tilespmem:s12], [sflag:$0x3] =	stream.indirect_vreg.gather [hbm4b:s1+s3], $0x80, v3, vm0, $0xb8;
	[tilespmem:$0x18200] =	vst v63  }
0xa1: {  	_ = 	snop  }
0xa2: {  	[tilespmem:s13], [sflag:$0x3] =	stream.indirect_vreg.gather [hbm4b:s4+s3], $0x80, v3, vm0, $0xb8;
	[tilespmem:$0x18200] =	vst v63  }
0xa3: {  	v3 =	vld [tilespmem:$0x90];
	_ =	sdelay $0x4  }
0xa4: {  	v41 =	vshll.u32 v3, $0x2  }
0xa5: {  	v3 =	vand.u32 $0x7, v3;
	v4 =	vand.u32 $0xFFFFFFE0, v41  }
0xa6: {  	v3 =	vor.u32 v3, v4  }
0xa7: {  	v4 =	vperm.xlane v3, v0;
	_ =	sdelay $0x1  }
0xa8: {  	v4 =	vadd.s32 v1, v4;
	_ =	sdelay $0x1  }
0xa9: {  	v3 =	vperm.xlane v3, v2;
	_ =	sdelay $0x1  }
0xaa: {  	s2 =	simm.s32 $0x12200;
	v3 =	vadd.s32 v1, v3  }
0xab: {  	[tilespmem:s2], [sflag:$0x3] =	stream.indirect_vreg.gather [hbm4b:s1+s3], $0x80, v4, vm0, $0xb8;
	[tilespmem:$0x18200] =	vst v63  }
0xac: {  	_ = 	snop  }
0xad: {  	[tilespmem:s6], [sflag:$0x3] =	stream.indirect_vreg.gather [hbm4b:s4+s3], $0x80, v4, vm0, $0xb8;
	[tilespmem:$0x18200] =	vst v63  }
0xae: {  	_ = 	snop  }
0xaf: {  	[tilespmem:s18], [sflag:$0x3] =	stream.indirect_vreg.gather [hbm4b:s1+s3], $0x80, v3, vm0, $0xb8;
	[tilespmem:$0x18200] =	vst v63  }
0xb0: {  	_ = 	snop  }
0xb1: {  	[tilespmem:s8], [sflag:$0x3] =	stream.indirect_vreg.gather [hbm4b:s4+s3], $0x80, v3, vm0, $0xb8;
	[tilespmem:$0x18200] =	vst v63  }
0xb2: {  	v3 =	vld [tilespmem:$0xA0];
	_ =	sdelay $0x4  }
0xb3: {  	v42 =	vshll.u32 v3, $0x2  }
0xb4: {  	v3 =	vand.u32 $0x7, v3;
	v4 =	vand.u32 $0xFFFFFFE0, v42  }
0xb5: {  	v3 =	vor.u32 v3, v4  }
0xb6: {  	v4 =	vperm.xlane v3, v0;
	_ =	sdelay $0x1  }
0xb7: {  	v4 =	vadd.s32 v1, v4;
	_ =	sdelay $0x1  }
0xb8: {  	v3 =	vperm.xlane v3, v2;
	_ =	sdelay $0x1  }
0xb9: {  	v3 =	vadd.s32 v1, v3  }
0xba: {  	[tilespmem:s9], [sflag:$0x3] =	stream.indirect_vreg.gather [hbm4b:s1+s3], $0x80, v4, vm0, $0xb8;
	[tilespmem:$0x18200] =	vst v63  }
0xbb: {  	_ = 	snop  }
0xbc: {  	[tilespmem:s10], [sflag:$0x3] =	stream.indirect_vreg.gather [hbm4b:s4+s3], $0x80, v4, vm0, $0xb8;
	[tilespmem:$0x18200] =	vst v63  }
0xbd: {  	_ = 	snop  }
0xbe: {  	[tilespmem:s21], [sflag:$0x3] =	stream.indirect_vreg.gather [hbm4b:s1+s3], $0x80, v3, vm0, $0xb8;
	[tilespmem:$0x18200] =	vst v63  }
0xbf: {  	_ = 	snop  }
0xc0: {  	[tilespmem:s22], [sflag:$0x3] =	stream.indirect_vreg.gather [hbm4b:s4+s3], $0x80, v3, vm0, $0xb8;
	[tilespmem:$0x18200] =	vst v63  }
0xc1: {  	v3 =	vld [tilespmem:$0xB0];
	_ =	sdelay $0x4  }
0xc2: {  	v43 =	vshll.u32 v3, $0x2  }
0xc3: {  	v3 =	vand.u32 $0x7, v3;
	v4 =	vand.u32 $0xFFFFFFE0, v43  }
0xc4: {  	v3 =	vor.u32 v3, v4  }
0xc5: {  	v4 =	vperm.xlane v3, v0;
	_ =	sdelay $0x1  }
0xc6: {  	v4 =	vadd.s32 v1, v4;
	_ =	sdelay $0x1  }
0xc7: {  	v3 =	vperm.xlane v3, v2;
	_ =	sdelay $0x1  }
0xc8: {  	v3 =	vadd.s32 v1, v3  }
0xc9: {  	[tilespmem:s24], [sflag:$0x3] =	stream.indirect_vreg.gather [hbm4b:s1+s3], $0x80, v4, vm0, $0xb8;
	[tilespmem:$0x18200] =	vst v63  }
0xca: {  	_ = 	snop  }
0xcb: {  	[tilespmem:s25], [sflag:$0x3] =	stream.indirect_vreg.gather [hbm4b:s4+s3], $0x80, v4, vm0, $0xb8;
	[tilespmem:$0x18200] =	vst v63  }
0xcc: {  	_ = 	snop  }
0xcd: {  	[tilespmem:s26], [sflag:$0x3] =	stream.indirect_vreg.gather [hbm4b:s1+s3], $0x80, v3, vm0, $0xb8;
	[tilespmem:$0x18200] =	vst v63  }
0xce: {  	_ = 	snop  }
0xcf: {  	[tilespmem:s28], [sflag:$0x3] =	stream.indirect_vreg.gather [hbm4b:s4+s3], $0x80, v3, vm0, $0xb8;
	[tilespmem:$0x18200] =	vst v63  }
0xd0: {  	_ =	swait.ge [sflag:s14], $0x8000  }
0xd1: {  	[sflag:s14] =	ssyncset.done $0x0  }
0xd2: {  	s20 =	rddreg [dreg:$0x5];
	[sflag:s14] =	ssyncadd.s32 $0xFFFF8000  }
0xd3: {  	[hbm4b:s20+s3] =	stream.linear.scatter [tilespmem:s23], [sflag:$0x4], $0x8000, $0x38;
	[tilespmem:$0x18200] =	vst v63  }
0xd4: {  	_ =	swait.ge [sflag:s15], $0x8000  }
0xd5: {  	[sflag:s15] =	ssyncset.done $0x0  }
0xd6: {  	[sflag:s15] =	ssyncadd.s32 $0xFFFF8000  }
0xd7: {  	v3 =	vld [tilespmem:$0xC0];
	_ =	sdelay $0x4  }
0xd8: {  	v44 =	vshll.u32 v3, $0x2  }
0xd9: {  	v3 =	vand.u32 $0x7, v3;
	v4 =	vand.u32 $0xFFFFFFE0, v44  }
0xda: {  	v3 =	vor.u32 v3, v4  }
0xdb: {  	v4 =	vperm.xlane v3, v0;
	_ =	sdelay $0x1  }
0xdc: {  	v4 =	vadd.s32 v1, v4;
	_ =	sdelay $0x1  }
0xdd: {  	v3 =	vperm.xlane v3, v2;
	_ =	sdelay $0x1  }
0xde: {  	v3 =	vadd.s32 v1, v3  }
0xdf: {  	[tilespmem:s23], [sflag:$0x1] =	stream.indirect_vreg.gather [hbm4b:s1+s3], $0x80, v4, vm0, $0xb8;
	[tilespmem:$0x18200] =	vst v63  }
0xe0: {  	s20 =	simm.s32 $0xA00  }
0xe1: {  	[tilespmem:s20], [sflag:$0x1] =	stream.indirect_vreg.gather [hbm4b:s4+s3], $0x80, v4, vm0, $0xb8;
	[tilespmem:$0x18200] =	vst v63  }
0xe2: {  	s20 =	simm.s32 $0x1200  }
0xe3: {  	[tilespmem:s20], [sflag:$0x1] =	stream.indirect_vreg.gather [hbm4b:s1+s3], $0x80, v3, vm0, $0xb8;
	[tilespmem:$0x18200] =	vst v63  }
0xe4: {  	s20 =	simm.s32 $0x1A00  }
0xe5: {  	[tilespmem:s20], [sflag:$0x1] =	stream.indirect_vreg.gather [hbm4b:s4+s3], $0x80, v3, vm0, $0xb8;
	[tilespmem:$0x18200] =	vst v63  }
0xe6: {  	v3 =	vld [tilespmem:$0xD0];
	_ =	sdelay $0x4  }
0xe7: {  	v45 =	vshll.u32 v3, $0x2  }
0xe8: {  	v3 =	vand.u32 $0x7, v3;
	v4 =	vand.u32 $0xFFFFFFE0, v45  }
0xe9: {  	v3 =	vor.u32 v3, v4  }
0xea: {  	v4 =	vperm.xlane v3, v0;
	_ =	sdelay $0x1  }
0xeb: {  	v4 =	vadd.s32 v1, v4;
	_ =	sdelay $0x1  }
0xec: {  	v3 =	vperm.xlane v3, v2;
	_ =	sdelay $0x1  }
0xed: {  	s20 =	simm.s32 $0x2200;
	v3 =	vadd.s32 v1, v3  }
0xee: {  	[tilespmem:s20], [sflag:$0x1] =	stream.indirect_vreg.gather [hbm4b:s1+s3], $0x80, v4, vm0, $0xb8;
	[tilespmem:$0x18200] =	vst v63  }
0xef: {  	s20 =	simm.s32 $0x2A00  }
0xf0: {  	[tilespmem:s20], [sflag:$0x1] =	stream.indirect_vreg.gather [hbm4b:s4+s3], $0x80, v4, vm0, $0xb8;
	[tilespmem:$0x18200] =	vst v63  }
0xf1: {  	s20 =	simm.s32 $0x3200  }
0xf2: {  	[tilespmem:s20], [sflag:$0x1] =	stream.indirect_vreg.gather [hbm4b:s1+s3], $0x80, v3, vm0, $0xb8;
	[tilespmem:$0x18200] =	vst v63  }
0xf3: {  	s20 =	simm.s32 $0x3A00  }
0xf4: {  	[tilespmem:s20], [sflag:$0x1] =	stream.indirect_vreg.gather [hbm4b:s4+s3], $0x80, v3, vm0, $0xb8;
	[tilespmem:$0x18200] =	vst v63  }
0xf5: {  	v3 =	vld [tilespmem:$0xE0];
	_ =	sdelay $0x4  }
0xf6: {  	v46 =	vshll.u32 v3, $0x2  }
0xf7: {  	v3 =	vand.u32 $0x7, v3;
	v4 =	vand.u32 $0xFFFFFFE0, v46  }
0xf8: {  	v3 =	vor.u32 v3, v4  }
0xf9: {  	v4 =	vperm.xlane v3, v0;
	_ =	sdelay $0x1  }
0xfa: {  	v4 =	vadd.s32 v1, v4;
	_ =	sdelay $0x1  }
0xfb: {  	v3 =	vperm.xlane v3, v2;
	_ =	sdelay $0x1  }
0xfc: {  	v3 =	vadd.s32 v1, v3  }
0xfd: {  	[tilespmem:s30], [sflag:$0x1] =	stream.indirect_vreg.gather [hbm4b:s1+s3], $0x80, v4, vm0, $0xb8;
	[tilespmem:$0x18200] =	vst v63  }
0xfe: {  	_ = 	snop  }
0xff: {  	[tilespmem:s31], [sflag:$0x1] =	stream.indirect_vreg.gather [hbm4b:s4+s3], $0x80, v4, vm0, $0xb8;
	[tilespmem:$0x18200] =	vst v63  }
0x100: {  	s20 =	simm.s32 $0x5200  }
0x101: {  	[tilespmem:s20], [sflag:$0x1] =	stream.indirect_vreg.gather [hbm4b:s1+s3], $0x80, v3, vm0, $0xb8;
	[tilespmem:$0x18200] =	vst v63  }
0x102: {  	s20 =	simm.s32 $0x5A00  }
0x103: {  	[tilespmem:s20], [sflag:$0x1] =	stream.indirect_vreg.gather [hbm4b:s4+s3], $0x80, v3, vm0, $0xb8;
	[tilespmem:$0x18200] =	vst v63  }
0x104: {  	v3 =	vld [tilespmem:$0xF0];
	_ =	sdelay $0x4  }
0x105: {  	v47 =	vshll.u32 v3, $0x2  }
0x106: {  	v3 =	vand.u32 $0x7, v3;
	v4 =	vand.u32 $0xFFFFFFE0, v47  }
0x107: {  	v3 =	vor.u32 v3, v4  }
0x108: {  	v4 =	vperm.xlane v3, v0;
	_ =	sdelay $0x1  }
0x109: {  	v4 =	vadd.s32 v1, v4;
	_ =	sdelay $0x1  }
0x10a: {  	v3 =	vperm.xlane v3, v2;
	_ =	sdelay $0x1  }
0x10b: {  	s20 =	simm.s32 $0x6200;
	v3 =	vadd.s32 v1, v3  }
0x10c: {  	[tilespmem:s20], [sflag:$0x1] =	stream.indirect_vreg.gather [hbm4b:s1+s3], $0x80, v4, vm0, $0xb8;
	[tilespmem:$0x18200] =	vst v63  }
0x10d: {  	s20 =	simm.s32 $0x6A00  }
0x10e: {  	[tilespmem:s20], [sflag:$0x1] =	stream.indirect_vreg.gather [hbm4b:s4+s3], $0x80, v4, vm0, $0xb8;
	[tilespmem:$0x18200] =	vst v63  }
0x10f: {  	s20 =	simm.s32 $0x7200  }
0x110: {  	[tilespmem:s20], [sflag:$0x1] =	stream.indirect_vreg.gather [hbm4b:s1+s3], $0x80, v3, vm0, $0xb8;
	[tilespmem:$0x18200] =	vst v63  }
0x111: {  	s20 =	simm.s32 $0x7A00  }
0x112: {  	[tilespmem:s20], [sflag:$0x1] =	stream.indirect_vreg.gather [hbm4b:s4+s3], $0x80, v3, vm0, $0xb8;
	[tilespmem:$0x18200] =	vst v63  }
0x113: {  	_ =	swait.ge [sflag:s16], $0x8000  }
0x114: {  	[sflag:s16] =	ssyncset.done $0x0  }
0x115: {  	s20 =	rddreg [dreg:$0x6];
	[sflag:s16] =	ssyncadd.s32 $0xFFFF8000  }
0x116: {  	[hbm4b:s20+s3] =	stream.linear.scatter [tilespmem:s0], [sflag:$0x5], $0x8000, $0x38;
	[tilespmem:$0x18200] =	vst v63  }
0x117: {  	_ =	swait.ge [sflag:s17], $0x8000  }
0x118: {  	[sflag:s17] =	ssyncset.done $0x0  }
0x119: {  	[sflag:s17] =	ssyncadd.s32 $0xFFFF8000  }
0x11a: {  	v3 =	vld [tilespmem:$0x100];
	_ =	sdelay $0x4  }
0x11b: {  	v48 =	vshll.u32 v3, $0x2  }
0x11c: {  	v3 =	vand.u32 $0x7, v3;
	v4 =	vand.u32 $0xFFFFFFE0, v48  }
0x11d: {  	v3 =	vor.u32 v3, v4  }
0x11e: {  	v4 =	vperm.xlane v3, v0;
	_ =	sdelay $0x1  }
0x11f: {  	v4 =	vadd.s32 v1, v4;
	_ =	sdelay $0x1  }
0x120: {  	v3 =	vperm.xlane v3, v2;
	_ =	sdelay $0x1  }
0x121: {  	v3 =	vadd.s32 v1, v3  }
0x122: {  	[tilespmem:s0], [sflag:$0x2] =	stream.indirect_vreg.gather [hbm4b:s1+s3], $0x80, v4, vm0, $0xb8;
	[tilespmem:$0x18200] =	vst v63  }
0x123: {  	s20 =	simm.s32 $0x8A00  }
0x124: {  	[tilespmem:s20], [sflag:$0x2] =	stream.indirect_vreg.gather [hbm4b:s4+s3], $0x80, v4, vm0, $0xb8;
	[tilespmem:$0x18200] =	vst v63  }
0x125: {  	s20 =	simm.s32 $0x9200  }
0x126: {  	[tilespmem:s20], [sflag:$0x2] =	stream.indirect_vreg.gather [hbm4b:s1+s3], $0x80, v3, vm0, $0xb8;
	[tilespmem:$0x18200] =	vst v63  }
0x127: {  	s20 =	simm.s32 $0x9A00  }
0x128: {  	[tilespmem:s20], [sflag:$0x2] =	stream.indirect_vreg.gather [hbm4b:s4+s3], $0x80, v3, vm0, $0xb8;
	[tilespmem:$0x18200] =	vst v63  }
0x129: {  	v3 =	vld [tilespmem:$0x110];
	_ =	sdelay $0x4  }
0x12a: {  	v49 =	vshll.u32 v3, $0x2  }
0x12b: {  	v3 =	vand.u32 $0x7, v3;
	v4 =	vand.u32 $0xFFFFFFE0, v49  }
0x12c: {  	v3 =	vor.u32 v3, v4  }
0x12d: {  	v4 =	vperm.xlane v3, v0;
	_ =	sdelay $0x1  }
0x12e: {  	v4 =	vadd.s32 v1, v4;
	_ =	sdelay $0x1  }
0x12f: {  	v3 =	vperm.xlane v3, v2;
	_ =	sdelay $0x1  }
0x130: {  	s20 =	simm.s32 $0xA200;
	v3 =	vadd.s32 v1, v3  }
0x131: {  	[tilespmem:s20], [sflag:$0x2] =	stream.indirect_vreg.gather [hbm4b:s1+s3], $0x80, v4, vm0, $0xb8;
	[tilespmem:$0x18200] =	vst v63  }
0x132: {  	s20 =	simm.s32 $0xAA00  }
0x133: {  	[tilespmem:s20], [sflag:$0x2] =	stream.indirect_vreg.gather [hbm4b:s4+s3], $0x80, v4, vm0, $0xb8;
	[tilespmem:$0x18200] =	vst v63  }
0x134: {  	s20 =	simm.s32 $0xB200  }
0x135: {  	[tilespmem:s20], [sflag:$0x2] =	stream.indirect_vreg.gather [hbm4b:s1+s3], $0x80, v3, vm0, $0xb8;
	[tilespmem:$0x18200] =	vst v63  }
0x136: {  	s20 =	simm.s32 $0xBA00  }
0x137: {  	[tilespmem:s20], [sflag:$0x2] =	stream.indirect_vreg.gather [hbm4b:s4+s3], $0x80, v3, vm0, $0xb8;
	[tilespmem:$0x18200] =	vst v63  }
0x138: {  	v3 =	vld [tilespmem:$0x120];
	_ =	sdelay $0x4  }
0x139: {  	v50 =	vshll.u32 v3, $0x2  }
0x13a: {  	v3 =	vand.u32 $0x7, v3;
	v4 =	vand.u32 $0xFFFFFFE0, v50  }
0x13b: {  	v3 =	vor.u32 v3, v4  }
0x13c: {  	v4 =	vperm.xlane v3, v0;
	_ =	sdelay $0x1  }
0x13d: {  	v4 =	vadd.s32 v1, v4;
	_ =	sdelay $0x1  }
0x13e: {  	v3 =	vperm.xlane v3, v2;
	_ =	sdelay $0x1  }
0x13f: {  	s20 =	simm.s32 $0xC200;
	v3 =	vadd.s32 v1, v3  }
0x140: {  	[tilespmem:s20], [sflag:$0x2] =	stream.indirect_vreg.gather [hbm4b:s1+s3], $0x80, v4, vm0, $0xb8;
	[tilespmem:$0x18200] =	vst v63  }
0x141: {  	s20 =	simm.s32 $0xCA00  }
0x142: {  	[tilespmem:s20], [sflag:$0x2] =	stream.indirect_vreg.gather [hbm4b:s4+s3], $0x80, v4, vm0, $0xb8;
	[tilespmem:$0x18200] =	vst v63  }
0x143: {  	s20 =	simm.s32 $0xD200  }
0x144: {  	[tilespmem:s20], [sflag:$0x2] =	stream.indirect_vreg.gather [hbm4b:s1+s3], $0x80, v3, vm0, $0xb8;
	[tilespmem:$0x18200] =	vst v63  }
0x145: {  	s20 =	simm.s32 $0xDA00  }
0x146: {  	[tilespmem:s20], [sflag:$0x2] =	stream.indirect_vreg.gather [hbm4b:s4+s3], $0x80, v3, vm0, $0xb8;
	[tilespmem:$0x18200] =	vst v63  }
0x147: {  	v3 =	vld [tilespmem:$0x130];
	_ =	sdelay $0x4  }
0x148: {  	v51 =	vshll.u32 v3, $0x2  }
0x149: {  	v3 =	vand.u32 $0x7, v3;
	v4 =	vand.u32 $0xFFFFFFE0, v51  }
0x14a: {  	v3 =	vor.u32 v3, v4  }
0x14b: {  	v4 =	vperm.xlane v3, v0;
	_ =	sdelay $0x1  }
0x14c: {  	v4 =	vadd.s32 v1, v4;
	_ =	sdelay $0x1  }
0x14d: {  	v3 =	vperm.xlane v3, v2;
	_ =	sdelay $0x1  }
0x14e: {  	s20 =	simm.s32 $0xE200;
	v3 =	vadd.s32 v1, v3  }
0x14f: {  	[tilespmem:s20], [sflag:$0x2] =	stream.indirect_vreg.gather [hbm4b:s1+s3], $0x80, v4, vm0, $0xb8;
	[tilespmem:$0x18200] =	vst v63  }
0x150: {  	s20 =	simm.s32 $0xEA00  }
0x151: {  	[tilespmem:s20], [sflag:$0x2] =	stream.indirect_vreg.gather [hbm4b:s4+s3], $0x80, v4, vm0, $0xb8;
	[tilespmem:$0x18200] =	vst v63  }
0x152: {  	s20 =	simm.s32 $0xF200  }
0x153: {  	[tilespmem:s20], [sflag:$0x2] =	stream.indirect_vreg.gather [hbm4b:s1+s3], $0x80, v3, vm0, $0xb8;
	[tilespmem:$0x18200] =	vst v63  }
0x154: {  	s20 =	simm.s32 $0xFA00  }
0x155: {  	[tilespmem:s20], [sflag:$0x2] =	stream.indirect_vreg.gather [hbm4b:s4+s3], $0x80, v3, vm0, $0xb8;
	[tilespmem:$0x18200] =	vst v63  }
0x156: {  	_ =	swait.ge [sflag:s29], $0x8000  }
0x157: {  	[sflag:s29] =	ssyncset.done $0x0  }
0x158: {  	s20 =	rddreg [dreg:$0x7];
	[sflag:s29] =	ssyncadd.s32 $0xFFFF8000  }
0x159: {  	[hbm4b:s20+s3] =	stream.linear.scatter [tilespmem:s7], [sflag:$0x6], $0x8000, $0x38;
	[tilespmem:$0x18200] =	vst v63  }
0x15a: {  	_ =	swait.ge [sflag:s19], $0x8000  }
0x15b: {  	[sflag:s19] =	ssyncset.done $0x0  }
0x15c: {  	[sflag:s19] =	ssyncadd.s32 $0xFFFF8000  }
0x15d: {  	v3 =	vld [tilespmem:$0x140];
	_ =	sdelay $0x4  }
0x15e: {  	v52 =	vshll.u32 v3, $0x2  }
0x15f: {  	v3 =	vand.u32 $0x7, v3;
	v4 =	vand.u32 $0xFFFFFFE0, v52  }
0x160: {  	v3 =	vor.u32 v3, v4  }
0x161: {  	v4 =	vperm.xlane v3, v0;
	_ =	sdelay $0x1  }
0x162: {  	v4 =	vadd.s32 v1, v4;
	_ =	sdelay $0x1  }
0x163: {  	v3 =	vperm.xlane v3, v2;
	_ =	sdelay $0x1  }
0x164: {  	v3 =	vadd.s32 v1, v3  }
0x165: {  	[tilespmem:s7], [sflag:$0x3] =	stream.indirect_vreg.gather [hbm4b:s1+s3], $0x80, v4, vm0, $0xb8;
	[tilespmem:$0x18200] =	vst v63  }
0x166: {  	_ = 	snop  }
0x167: {  	[tilespmem:s11], [sflag:$0x3] =	stream.indirect_vreg.gather [hbm4b:s4+s3], $0x80, v4, vm0, $0xb8;
	[tilespmem:$0x18200] =	vst v63  }
0x168: {  	_ = 	snop  }
0x169: {  	[tilespmem:s12], [sflag:$0x3] =	stream.indirect_vreg.gather [hbm4b:s1+s3], $0x80, v3, vm0, $0xb8;
	[tilespmem:$0x18200] =	vst v63  }
0x16a: {  	_ = 	snop  }
0x16b: {  	[tilespmem:s13], [sflag:$0x3] =	stream.indirect_vreg.gather [hbm4b:s4+s3], $0x80, v3, vm0, $0xb8;
	[tilespmem:$0x18200] =	vst v63  }
0x16c: {  	v3 =	vld [tilespmem:$0x150];
	_ =	sdelay $0x4  }
0x16d: {  	v53 =	vshll.u32 v3, $0x2  }
0x16e: {  	v3 =	vand.u32 $0x7, v3;
	v4 =	vand.u32 $0xFFFFFFE0, v53  }
0x16f: {  	v3 =	vor.u32 v3, v4  }
0x170: {  	v4 =	vperm.xlane v3, v0;
	_ =	sdelay $0x1  }
0x171: {  	v4 =	vadd.s32 v1, v4;
	_ =	sdelay $0x1  }
0x172: {  	v3 =	vperm.xlane v3, v2;
	_ =	sdelay $0x1  }
0x173: {  	v3 =	vadd.s32 v1, v3  }
0x174: {  	[tilespmem:s2], [sflag:$0x3] =	stream.indirect_vreg.gather [hbm4b:s1+s3], $0x80, v4, vm0, $0xb8;
	[tilespmem:$0x18200] =	vst v63  }
0x175: {  	_ = 	snop  }
0x176: {  	[tilespmem:s6], [sflag:$0x3] =	stream.indirect_vreg.gather [hbm4b:s4+s3], $0x80, v4, vm0, $0xb8;
	[tilespmem:$0x18200] =	vst v63  }
0x177: {  	_ = 	snop  }
0x178: {  	[tilespmem:s18], [sflag:$0x3] =	stream.indirect_vreg.gather [hbm4b:s1+s3], $0x80, v3, vm0, $0xb8;
	[tilespmem:$0x18200] =	vst v63  }
0x179: {  	_ = 	snop  }
0x17a: {  	[tilespmem:s8], [sflag:$0x3] =	stream.indirect_vreg.gather [hbm4b:s4+s3], $0x80, v3, vm0, $0xb8;
	[tilespmem:$0x18200] =	vst v63  }
0x17b: {  	v3 =	vld [tilespmem:$0x160];
	_ =	sdelay $0x4  }
0x17c: {  	v54 =	vshll.u32 v3, $0x2  }
0x17d: {  	v3 =	vand.u32 $0x7, v3;
	v4 =	vand.u32 $0xFFFFFFE0, v54  }
0x17e: {  	v3 =	vor.u32 v3, v4  }
0x17f: {  	v4 =	vperm.xlane v3, v0;
	_ =	sdelay $0x1  }
0x180: {  	v4 =	vadd.s32 v1, v4;
	_ =	sdelay $0x1  }
0x181: {  	v3 =	vperm.xlane v3, v2;
	_ =	sdelay $0x1  }
0x182: {  	v3 =	vadd.s32 v1, v3  }
0x183: {  	[tilespmem:s9], [sflag:$0x3] =	stream.indirect_vreg.gather [hbm4b:s1+s3], $0x80, v4, vm0, $0xb8;
	[tilespmem:$0x18200] =	vst v63  }
0x184: {  	_ = 	snop  }
0x185: {  	[tilespmem:s10], [sflag:$0x3] =	stream.indirect_vreg.gather [hbm4b:s4+s3], $0x80, v4, vm0, $0xb8;
	[tilespmem:$0x18200] =	vst v63  }
0x186: {  	_ = 	snop  }
0x187: {  	[tilespmem:s21], [sflag:$0x3] =	stream.indirect_vreg.gather [hbm4b:s1+s3], $0x80, v3, vm0, $0xb8;
	[tilespmem:$0x18200] =	vst v63  }
0x188: {  	_ = 	snop  }
0x189: {  	[tilespmem:s22], [sflag:$0x3] =	stream.indirect_vreg.gather [hbm4b:s4+s3], $0x80, v3, vm0, $0xb8;
	[tilespmem:$0x18200] =	vst v63  }
0x18a: {  	v3 =	vld [tilespmem:$0x170];
	_ =	sdelay $0x4  }
0x18b: {  	v55 =	vshll.u32 v3, $0x2  }
0x18c: {  	v3 =	vand.u32 $0x7, v3;
	v4 =	vand.u32 $0xFFFFFFE0, v55  }
0x18d: {  	v3 =	vor.u32 v3, v4  }
0x18e: {  	v4 =	vperm.xlane v3, v0;
	_ =	sdelay $0x1  }
0x18f: {  	v4 =	vadd.s32 v1, v4;
	_ =	sdelay $0x1  }
0x190: {  	v3 =	vperm.xlane v3, v2;
	_ =	sdelay $0x1  }
0x191: {  	v3 =	vadd.s32 v1, v3  }
0x192: {  	[tilespmem:s24], [sflag:$0x3] =	stream.indirect_vreg.gather [hbm4b:s1+s3], $0x80, v4, vm0, $0xb8;
	[tilespmem:$0x18200] =	vst v63  }
0x193: {  	_ = 	snop  }
0x194: {  	[tilespmem:s25], [sflag:$0x3] =	stream.indirect_vreg.gather [hbm4b:s4+s3], $0x80, v4, vm0, $0xb8;
	[tilespmem:$0x18200] =	vst v63  }
0x195: {  	_ = 	snop  }
0x196: {  	[tilespmem:s26], [sflag:$0x3] =	stream.indirect_vreg.gather [hbm4b:s1+s3], $0x80, v3, vm0, $0xb8;
	[tilespmem:$0x18200] =	vst v63  }
0x197: {  	_ = 	snop  }
0x198: {  	[tilespmem:s28], [sflag:$0x3] =	stream.indirect_vreg.gather [hbm4b:s4+s3], $0x80, v3, vm0, $0xb8;
	[tilespmem:$0x18200] =	vst v63  }
0x199: {  	_ =	swait.ge [sflag:s14], $0x8000  }
0x19a: {  	[sflag:s14] =	ssyncset.done $0x0  }
0x19b: {  	s2 =	rddreg [dreg:$0x8];
	[sflag:s14] =	ssyncadd.s32 $0xFFFF8000  }
0x19c: {  	[hbm4b:s2+s3] =	stream.linear.scatter [tilespmem:s23], [sflag:$0x4], $0x8000, $0x38;
	[tilespmem:$0x18200] =	vst v63  }
0x19d: {  	_ =	swait.ge [sflag:s15], $0x8000  }
0x19e: {  	[sflag:s15] =	ssyncset.done $0x0  }
0x19f: {  	[sflag:s15] =	ssyncadd.s32 $0xFFFF8000  }
0x1a0: {  	v3 =	vld [tilespmem:$0x180];
	_ =	sdelay $0x4  }
0x1a1: {  	v56 =	vshll.u32 v3, $0x2  }
0x1a2: {  	v3 =	vand.u32 $0x7, v3;
	v4 =	vand.u32 $0xFFFFFFE0, v56  }
0x1a3: {  	v3 =	vor.u32 v3, v4  }
0x1a4: {  	v4 =	vperm.xlane v3, v0;
	_ =	sdelay $0x1  }
0x1a5: {  	v4 =	vadd.s32 v1, v4;
	_ =	sdelay $0x1  }
0x1a6: {  	v3 =	vperm.xlane v3, v2;
	_ =	sdelay $0x1  }
0x1a7: {  	v3 =	vadd.s32 v1, v3  }
0x1a8: {  	[tilespmem:s23], [sflag:$0x1] =	stream.indirect_vreg.gather [hbm4b:s1+s3], $0x80, v4, vm0, $0xb8;
	[tilespmem:$0x18200] =	vst v63  }
0x1a9: {  	s20 =	simm.s32 $0xA00  }
0x1aa: {  	[tilespmem:s20], [sflag:$0x1] =	stream.indirect_vreg.gather [hbm4b:s4+s3], $0x80, v4, vm0, $0xb8;
	[tilespmem:$0x18200] =	vst v63  }
0x1ab: {  	s20 =	simm.s32 $0x1200  }
0x1ac: {  	[tilespmem:s20], [sflag:$0x1] =	stream.indirect_vreg.gather [hbm4b:s1+s3], $0x80, v3, vm0, $0xb8;
	[tilespmem:$0x18200] =	vst v63  }
0x1ad: {  	s20 =	simm.s32 $0x1A00  }
0x1ae: {  	[tilespmem:s20], [sflag:$0x1] =	stream.indirect_vreg.gather [hbm4b:s4+s3], $0x80, v3, vm0, $0xb8;
	[tilespmem:$0x18200] =	vst v63  }
0x1af: {  	v3 =	vld [tilespmem:$0x190];
	_ =	sdelay $0x4  }
0x1b0: {  	v57 =	vshll.u32 v3, $0x2  }
0x1b1: {  	v3 =	vand.u32 $0x7, v3;
	v4 =	vand.u32 $0xFFFFFFE0, v57  }
0x1b2: {  	v3 =	vor.u32 v3, v4  }
0x1b3: {  	v4 =	vperm.xlane v3, v0;
	_ =	sdelay $0x1  }
0x1b4: {  	v4 =	vadd.s32 v1, v4;
	_ =	sdelay $0x1  }
0x1b5: {  	v3 =	vperm.xlane v3, v2;
	_ =	sdelay $0x1  }
0x1b6: {  	s20 =	simm.s32 $0x2200;
	v3 =	vadd.s32 v1, v3  }
0x1b7: {  	[tilespmem:s20], [sflag:$0x1] =	stream.indirect_vreg.gather [hbm4b:s1+s3], $0x80, v4, vm0, $0xb8;
	[tilespmem:$0x18200] =	vst v63  }
0x1b8: {  	s20 =	simm.s32 $0x2A00  }
0x1b9: {  	[tilespmem:s20], [sflag:$0x1] =	stream.indirect_vreg.gather [hbm4b:s4+s3], $0x80, v4, vm0, $0xb8;
	[tilespmem:$0x18200] =	vst v63  }
0x1ba: {  	s20 =	simm.s32 $0x3200  }
0x1bb: {  	[tilespmem:s20], [sflag:$0x1] =	stream.indirect_vreg.gather [hbm4b:s1+s3], $0x80, v3, vm0, $0xb8;
	[tilespmem:$0x18200] =	vst v63  }
0x1bc: {  	s20 =	simm.s32 $0x3A00  }
0x1bd: {  	[tilespmem:s20], [sflag:$0x1] =	stream.indirect_vreg.gather [hbm4b:s4+s3], $0x80, v3, vm0, $0xb8;
	[tilespmem:$0x18200] =	vst v63  }
0x1be: {  	v3 =	vld [tilespmem:$0x1A0];
	_ =	sdelay $0x4  }
0x1bf: {  	v58 =	vshll.u32 v3, $0x2  }
0x1c0: {  	v3 =	vand.u32 $0x7, v3;
	v4 =	vand.u32 $0xFFFFFFE0, v58  }
0x1c1: {  	v3 =	vor.u32 v3, v4  }
0x1c2: {  	v4 =	vperm.xlane v3, v0;
	_ =	sdelay $0x1  }
0x1c3: {  	v4 =	vadd.s32 v1, v4;
	_ =	sdelay $0x1  }
0x1c4: {  	v3 =	vperm.xlane v3, v2;
	_ =	sdelay $0x1  }
0x1c5: {  	v3 =	vadd.s32 v1, v3  }
0x1c6: {  	[tilespmem:s30], [sflag:$0x1] =	stream.indirect_vreg.gather [hbm4b:s1+s3], $0x80, v4, vm0, $0xb8;
	[tilespmem:$0x18200] =	vst v63  }
0x1c7: {  	_ = 	snop  }
0x1c8: {  	[tilespmem:s31], [sflag:$0x1] =	stream.indirect_vreg.gather [hbm4b:s4+s3], $0x80, v4, vm0, $0xb8;
	[tilespmem:$0x18200] =	vst v63  }
0x1c9: {  	s20 =	simm.s32 $0x5200  }
0x1ca: {  	[tilespmem:s20], [sflag:$0x1] =	stream.indirect_vreg.gather [hbm4b:s1+s3], $0x80, v3, vm0, $0xb8;
	[tilespmem:$0x18200] =	vst v63  }
0x1cb: {  	s20 =	simm.s32 $0x5A00  }
0x1cc: {  	[tilespmem:s20], [sflag:$0x1] =	stream.indirect_vreg.gather [hbm4b:s4+s3], $0x80, v3, vm0, $0xb8;
	[tilespmem:$0x18200] =	vst v63  }
0x1cd: {  	v3 =	vld [tilespmem:$0x1B0];
	_ =	sdelay $0x4  }
0x1ce: {  	v59 =	vshll.u32 v3, $0x2  }
0x1cf: {  	v3 =	vand.u32 $0x7, v3;
	v4 =	vand.u32 $0xFFFFFFE0, v59  }
0x1d0: {  	v3 =	vor.u32 v3, v4  }
0x1d1: {  	v4 =	vperm.xlane v3, v0;
	_ =	sdelay $0x1  }
0x1d2: {  	v4 =	vadd.s32 v1, v4;
	_ =	sdelay $0x1  }
0x1d3: {  	v3 =	vperm.xlane v3, v2;
	_ =	sdelay $0x1  }
0x1d4: {  	s20 =	simm.s32 $0x6200;
	v3 =	vadd.s32 v1, v3  }
0x1d5: {  	[tilespmem:s20], [sflag:$0x1] =	stream.indirect_vreg.gather [hbm4b:s1+s3], $0x80, v4, vm0, $0xb8;
	[tilespmem:$0x18200] =	vst v63  }
0x1d6: {  	s20 =	simm.s32 $0x6A00  }
0x1d7: {  	[tilespmem:s20], [sflag:$0x1] =	stream.indirect_vreg.gather [hbm4b:s4+s3], $0x80, v4, vm0, $0xb8;
	[tilespmem:$0x18200] =	vst v63  }
0x1d8: {  	s20 =	simm.s32 $0x7200  }
0x1d9: {  	[tilespmem:s20], [sflag:$0x1] =	stream.indirect_vreg.gather [hbm4b:s1+s3], $0x80, v3, vm0, $0xb8;
	[tilespmem:$0x18200] =	vst v63  }
0x1da: {  	s20 =	simm.s32 $0x7A00  }
0x1db: {  	[tilespmem:s20], [sflag:$0x1] =	stream.indirect_vreg.gather [hbm4b:s4+s3], $0x80, v3, vm0, $0xb8;
	[tilespmem:$0x18200] =	vst v63  }
0x1dc: {  	_ =	swait.ge [sflag:s16], $0x8000  }
0x1dd: {  	[sflag:s16] =	ssyncset.done $0x0  }
0x1de: {  	s2 =	rddreg [dreg:$0x9];
	[sflag:s16] =	ssyncadd.s32 $0xFFFF8000  }
0x1df: {  	[hbm4b:s2+s3] =	stream.linear.scatter [tilespmem:s0], [sflag:$0x5], $0x8000, $0x38;
	[tilespmem:$0x18200] =	vst v63  }
0x1e0: {  	_ =	swait.ge [sflag:s17], $0x8000  }
0x1e1: {  	[sflag:s17] =	ssyncset.done $0x0  }
0x1e2: {  	[sflag:s17] =	ssyncadd.s32 $0xFFFF8000  }
0x1e3: {  	v3 =	vld [tilespmem:$0x1C0];
	_ =	sdelay $0x4  }
0x1e4: {  	v60 =	vshll.u32 v3, $0x2  }
0x1e5: {  	v3 =	vand.u32 $0x7, v3;
	v4 =	vand.u32 $0xFFFFFFE0, v60  }
0x1e6: {  	v3 =	vor.u32 v3, v4  }
0x1e7: {  	v4 =	vperm.xlane v3, v0;
	_ =	sdelay $0x1  }
0x1e8: {  	v4 =	vadd.s32 v1, v4;
	_ =	sdelay $0x1  }
0x1e9: {  	v3 =	vperm.xlane v3, v2;
	_ =	sdelay $0x1  }
0x1ea: {  	v3 =	vadd.s32 v1, v3  }
0x1eb: {  	[tilespmem:s0], [sflag:$0x2] =	stream.indirect_vreg.gather [hbm4b:s1+s3], $0x80, v4, vm0, $0xb8;
	[tilespmem:$0x18200] =	vst v63  }
0x1ec: {  	s20 =	simm.s32 $0x8A00  }
0x1ed: {  	[tilespmem:s20], [sflag:$0x2] =	stream.indirect_vreg.gather [hbm4b:s4+s3], $0x80, v4, vm0, $0xb8;
	[tilespmem:$0x18200] =	vst v63  }
0x1ee: {  	s20 =	simm.s32 $0x9200  }
0x1ef: {  	[tilespmem:s20], [sflag:$0x2] =	stream.indirect_vreg.gather [hbm4b:s1+s3], $0x80, v3, vm0, $0xb8;
	[tilespmem:$0x18200] =	vst v63  }
0x1f0: {  	s20 =	simm.s32 $0x9A00  }
0x1f1: {  	[tilespmem:s20], [sflag:$0x2] =	stream.indirect_vreg.gather [hbm4b:s4+s3], $0x80, v3, vm0, $0xb8;
	[tilespmem:$0x18200] =	vst v63  }
0x1f2: {  	v3 =	vld [tilespmem:$0x1D0];
	_ =	sdelay $0x4  }
0x1f3: {  	v61 =	vshll.u32 v3, $0x2  }
0x1f4: {  	v3 =	vand.u32 $0x7, v3;
	v4 =	vand.u32 $0xFFFFFFE0, v61  }
0x1f5: {  	v3 =	vor.u32 v3, v4  }
0x1f6: {  	v4 =	vperm.xlane v3, v0;
	_ =	sdelay $0x1  }
0x1f7: {  	v4 =	vadd.s32 v1, v4;
	_ =	sdelay $0x1  }
0x1f8: {  	v3 =	vperm.xlane v3, v2;
	_ =	sdelay $0x1  }
0x1f9: {  	s20 =	simm.s32 $0xA200;
	v3 =	vadd.s32 v1, v3  }
0x1fa: {  	[tilespmem:s20], [sflag:$0x2] =	stream.indirect_vreg.gather [hbm4b:s1+s3], $0x80, v4, vm0, $0xb8;
	[tilespmem:$0x18200] =	vst v63  }
0x1fb: {  	s20 =	simm.s32 $0xAA00  }
0x1fc: {  	[tilespmem:s20], [sflag:$0x2] =	stream.indirect_vreg.gather [hbm4b:s4+s3], $0x80, v4, vm0, $0xb8;
	[tilespmem:$0x18200] =	vst v63  }
0x1fd: {  	s20 =	simm.s32 $0xB200  }
0x1fe: {  	[tilespmem:s20], [sflag:$0x2] =	stream.indirect_vreg.gather [hbm4b:s1+s3], $0x80, v3, vm0, $0xb8;
	[tilespmem:$0x18200] =	vst v63  }
0x1ff: {  	s20 =	simm.s32 $0xBA00  }
0x200: {  	[tilespmem:s20], [sflag:$0x2] =	stream.indirect_vreg.gather [hbm4b:s4+s3], $0x80, v3, vm0, $0xb8;
	[tilespmem:$0x18200] =	vst v63  }
0x201: {  	v3 =	vld [tilespmem:$0x1E0];
	_ =	sdelay $0x4  }
0x202: {  	v62 =	vshll.u32 v3, $0x2  }
0x203: {  	v3 =	vand.u32 $0x7, v3;
	v4 =	vand.u32 $0xFFFFFFE0, v62  }
0x204: {  	v3 =	vor.u32 v3, v4  }
0x205: {  	v4 =	vperm.xlane v3, v0;
	_ =	sdelay $0x1  }
0x206: {  	v4 =	vadd.s32 v1, v4;
	_ =	sdelay $0x1  }
0x207: {  	v3 =	vperm.xlane v3, v2;
	_ =	sdelay $0x1  }
0x208: {  	s20 =	simm.s32 $0xC200;
	v3 =	vadd.s32 v1, v3  }
0x209: {  	[tilespmem:s20], [sflag:$0x2] =	stream.indirect_vreg.gather [hbm4b:s1+s3], $0x80, v4, vm0, $0xb8;
	[tilespmem:$0x18200] =	vst v63  }
0x20a: {  	s20 =	simm.s32 $0xCA00  }
0x20b: {  	[tilespmem:s20], [sflag:$0x2] =	stream.indirect_vreg.gather [hbm4b:s4+s3], $0x80, v4, vm0, $0xb8;
	[tilespmem:$0x18200] =	vst v63  }
0x20c: {  	s20 =	simm.s32 $0xD200  }
0x20d: {  	[tilespmem:s20], [sflag:$0x2] =	stream.indirect_vreg.gather [hbm4b:s1+s3], $0x80, v3, vm0, $0xb8;
	[tilespmem:$0x18200] =	vst v63  }
0x20e: {  	s20 =	simm.s32 $0xDA00  }
0x20f: {  	[tilespmem:s20], [sflag:$0x2] =	stream.indirect_vreg.gather [hbm4b:s4+s3], $0x80, v3, vm0, $0xb8;
	[tilespmem:$0x18200] =	vst v63  }
0x210: {  	v3 =	vld [tilespmem:$0x1F0];
	_ =	sdelay $0x4  }
0x211: {  	v63 =	vshll.u32 v3, $0x2  }
0x212: {  	v3 =	vand.u32 $0x7, v3;
	v4 =	vand.u32 $0xFFFFFFE0, v63  }
0x213: {  	v3 =	vor.u32 v3, v4  }
0x214: {  	v4 =	vperm.xlane v3, v0;
	_ =	sdelay $0x1  }
0x215: {  	v4 =	vadd.s32 v1, v4;
	_ =	sdelay $0x1  }
0x216: {  	v3 =	vperm.xlane v3, v2;
	_ =	sdelay $0x1  }
0x217: {  	s20 =	simm.s32 $0xE200;
	v3 =	vadd.s32 v1, v3  }
0x218: {  	[tilespmem:s20], [sflag:$0x2] =	stream.indirect_vreg.gather [hbm4b:s1+s3], $0x80, v4, vm0, $0xb8;
	[tilespmem:$0x18200] =	vst v63  }
0x219: {  	s20 =	simm.s32 $0xEA00  }
0x21a: {  	[tilespmem:s20], [sflag:$0x2] =	stream.indirect_vreg.gather [hbm4b:s4+s3], $0x80, v4, vm0, $0xb8;
	[tilespmem:$0x18200] =	vst v63  }
0x21b: {  	s20 =	simm.s32 $0xF200  }
0x21c: {  	[tilespmem:s20], [sflag:$0x2] =	stream.indirect_vreg.gather [hbm4b:s1+s3], $0x80, v3, vm0, $0xb8;
	[tilespmem:$0x18200] =	vst v63  }
0x21d: {  	s20 =	simm.s32 $0xFA00  }
0x21e: {  	[tilespmem:s20], [sflag:$0x2] =	stream.indirect_vreg.gather [hbm4b:s4+s3], $0x80, v3, vm0, $0xb8;
	[tilespmem:$0x18200] =	vst v63  }
0x21f: {  	_ =	swait.ge [sflag:s29], $0x8000  }
0x220: {  	[sflag:s29] =	ssyncset.done $0x0  }
0x221: {  	s2 =	rddreg [dreg:$0xa];
	[sflag:s29] =	ssyncadd.s32 $0xFFFF8000  }
0x222: {  	[hbm4b:s2+s3] =	stream.linear.scatter [tilespmem:s7], [sflag:$0x6], $0x8000, $0x38;
	[tilespmem:$0x18200] =	vst v63  }
0x223: {  	_ =	swait.ge [sflag:s19], $0x8000  }
0x224: {  	[sflag:s19] =	ssyncset.done $0x0  }
0x225: {  	[sflag:s19] =	ssyncadd.s32 $0xFFFF8000  }
0x226: {  	_ =	swait.ge [sflag:s14], $0x8000  }
0x227: {  	[sflag:s14] =	ssyncset.done $0x0  }
0x228: {  	s2 =	rddreg [dreg:$0xb];
	[sflag:s14] =	ssyncadd.s32 $0xFFFF8000  }
0x229: {  	[hbm4b:s2+s3] =	stream.linear.scatter [tilespmem:s23], [sflag:$0x4], $0x8000, $0x38;
	[tilespmem:$0x18200] =	vst v63  }
0x22a: {  	_ =	swait.ge [sflag:s15], $0x8000  }
0x22b: {  	[sflag:s15] =	ssyncset.done $0x0  }
0x22c: {  	[sflag:s15] =	ssyncadd.s32 $0xFFFF8000  }
0x22d: {  	_ =	swait.ge [sflag:s16], $0x8000  }
0x22e: {  	p0 =	sne.s32 s5, $0x1;
	[sflag:s16] =	ssyncset.done $0x0  }
.Ltmp0:
0x22f: {  	s2 =	rddreg [dreg:$0xc];
	[sflag:s16] =	ssyncadd.s32 $0xFFFF8000;
	(pc) =	sbr.rel @p0 .LBB2_1-.Ltmp0, $4  }
0x230: {  	[hbm4b:s2+s3] =	stream.linear.scatter [tilespmem:s0], [sflag:$0x5], $0x8000, $0x38;
	[tilespmem:$0x18200] =	vst v63  }
0x231: {  	_ =	swait.ge [sflag:s17], $0x8000  }
0x232: {  	[sflag:s17] =	ssyncset.done $0x0  }
0x233: {  	s5 =	sadd.s32 $0xFFFFFFFF, s5;
	[sflag:s17] =	ssyncadd.s32 $0xFFFF8000  }
0x234: {  	_ =	sfence.sel $0x180000  }
0x235: {  	[bflag:$0x0] =	sbarrier.arrive $0xFFFF  }
0x236: {  	_ =	strace $0x90000047  }
0x237: {  	s0 =	stileid.u32;
	[bflag:$0x2] =	sbarrier.arrive $0xFFFF  }
0x238: {  	p0 =	sne.s32 s0, $0x0;
	s0 =	rddreg [dreg:$0x3]  }
0x239: {  	s0 =	sadd.s32 @!p0 $0x100000, s0  }
0x23a: {  	[sflag:s0] =	ssyncadd.tile.s32 @!p0 $0x1;
	_ =	shalt  }
.Lfunc_end2:
_tile_overlayer_lowered:
.L_overlay_start_2:
0x23b: {  	(tag) =	ssettag $0x2  }
0x23c: {  	s0 =	rddreg [dreg:$0x0];
	s2 =	stileid.u32  }
0x23d: {  	s1 =	rddreg [dreg:$0x1];
	p0 =	sne.s32 s2, $0x0  }
0x23e: {  	s3 =	rddreg [dreg:$0x2];
	[bflag:$0x3] =	sbarrier.arrive $0xFFFF;
	s2 =	simm.s32 @!p0 $0x1C07  }
0x23f: {  	[timem:s3], [sflag:s2] =	dma.local @!p0 [hbm:s0], s1  }
0x240: {  	s0 =	simm.s32 @!p0 $0x7  }
0x241: {  	_ =	swait.ge @!p0 [sflag:s0], s1  }
0x242: {  	s1 =	ssub.s32 @!p0 $0x0, s1;
	[sflag:s0] =	ssyncset.done @!p0 $0x0  }
0x243: {  	[sflag:s0] =	ssyncadd.s32 @!p0 s1  }
0x244: {  	[bflag:$0x3] =	sbarrier.arrive $0xFFFF  }
0x245: {  	_ =	shalt  }

</sc_bundles>
